<compile_context>
chip_gen: v7x
topology: tpu7x:2x2x1
jax: 0.10.2.dev20260603
libtpu: 0.0.44.dev20260713+nightly
codegen_flags: <defaults>
</compile_context>

<pallas_src>
import functools

import jax
import jax.numpy as jnp
from jax import lax
from jax.experimental import pallas as pl
from jax.experimental.pallas import tpu as pltpu
from jax.experimental.pallas import tpu_sc as plsc

B = 16384
D = 128
NC = 2
NS = 16
NW = NC * NS
BPW = B // NW
CHUNK = 128
NCHUNK = BPW // CHUNK
LANES = 16


def _svd_body(u_hbm, i_hbm, uemb_hbm, iemb_hbm, ubias_hbm, ibias_hbm,
              gbias_hbm, out_hbm,
              uix, iix, ub, ib, gb, ubuf0, ubuf1, ibuf0, ibuf1, out_v,
              sem0, sem1, bsem):
    c = lax.axis_index("c")
    s = lax.axis_index("s")
    wid = s * NC + c
    base = wid * BPW

    pltpu.sync_copy(u_hbm.at[pl.ds(base, BPW)], uix)
    pltpu.sync_copy(i_hbm.at[pl.ds(base, BPW)], iix)
    pltpu.sync_copy(gbias_hbm, gb.at[pl.ds(0, 1)])

    bias_handles = []
    for ci in range(NCHUNK):
        sl = pl.ds(ci * CHUNK, CHUNK)
        bias_handles.append(
            pltpu.async_copy(ubias_hbm.at[uix.at[sl]], ub.at[sl], bsem))
        bias_handles.append(
            pltpu.async_copy(ibias_hbm.at[iix.at[sl]], ib.at[sl], bsem))

    ubufs = (ubuf0, ubuf1)
    ibufs = (ibuf0, ibuf1)
    sems = (sem0, sem1)

    def start(ci):
        slot = ci % 2
        sl = pl.ds(ci * CHUNK, CHUNK)
        hu = pltpu.async_copy(uemb_hbm.at[uix.at[sl]], ubufs[slot], sems[slot])
        hi = pltpu.async_copy(iemb_hbm.at[iix.at[sl]], ibufs[slot], sems[slot])
        return hu, hi

    handles = [None, None]
    handles[0] = start(0)
    for ci in range(NCHUNK):
        slot = ci % 2
        if ci + 1 < NCHUNK:
            handles[(ci + 1) % 2] = start(ci + 1)
        hu, hi = handles[slot]
        hu.wait()
        hi.wait()
        ubuf = ubufs[slot]
        ibuf = ibufs[slot]
        out_base = ci * CHUNK
        lane_iota = lax.iota(jnp.int32, LANES)

        def group_body(g, _):
            rowbase = g * LANES

            def row_body(r, vec):
                row = rowbase + r
                acc = ubuf[row, pl.ds(0, LANES)] * ibuf[row, pl.ds(0, LANES)]
                for j in range(1, D // LANES):
                    sl2 = pl.ds(j * LANES, LANES)
                    acc = acc + ubuf[row, sl2] * ibuf[row, sl2]
                return jnp.where(lane_iota == r, jnp.sum(acc), vec)

            vec = lax.fori_loop(0, LANES, row_body,
                                jnp.zeros((LANES,), jnp.float32), unroll=2)
            out_v[pl.ds(out_base + rowbase, LANES)] = vec
            return 0

        lax.fori_loop(0, CHUNK // LANES, group_body, 0)

    for h in bias_handles:
        h.wait()
    gbs = gb[pl.ds(0, LANES)][0]
    for g in range(BPW // LANES):
        sl = pl.ds(g * LANES, LANES)
        out_v[sl] = out_v[sl] + ub[sl] + ib[sl] + gbs

    pltpu.sync_copy(out_v, out_hbm.at[pl.ds(base, BPW)])


@functools.partial(jax.jit, donate_argnums=())
def kernel(u, i, uemb, iemb, ubias, ibias, gbias):
    mesh = plsc.VectorSubcoreMesh(core_axis_name="c", subcore_axis_name="s")
    run = pl.kernel(
        _svd_body,
        mesh=mesh,
        compiler_params=pltpu.CompilerParams(needs_layout_passes=False),
        out_type=jax.ShapeDtypeStruct((B,), jnp.float32),
        scratch_types=[
            pltpu.VMEM((BPW,), jnp.int32),
            pltpu.VMEM((BPW,), jnp.int32),
            pltpu.VMEM((BPW,), jnp.float32),
            pltpu.VMEM((BPW,), jnp.float32),
            pltpu.VMEM((LANES,), jnp.float32),
            pltpu.VMEM((CHUNK, D), jnp.float32),
            pltpu.VMEM((CHUNK, D), jnp.float32),
            pltpu.VMEM((CHUNK, D), jnp.float32),
            pltpu.VMEM((CHUNK, D), jnp.float32),
            pltpu.VMEM((BPW,), jnp.float32),
            pltpu.SemaphoreType.DMA,
            pltpu.SemaphoreType.DMA,
            pltpu.SemaphoreType.DMA,
        ],
    )
    return run(u, i, uemb, iemb, ubias.reshape(-1), ibias.reshape(-1), gbias)

# --- scband reference (transcript-rebuilt; emitter-appended) ---
"""Pipeline reference for scband-svdmodel-29703993819526 (READ-ONLY COPY).

The authoritative reference and input builder live on the scoring server;
editing this copy changes nothing except your own understanding.
"""

import jax, jax.numpy as jnp
import numpy as np

N_USERS = 1000000
N_ITEMS = 100000
EMB = 128
BATCH = 16384
GM = 3.5


def setup_inputs(seed: int = 0) -> dict:
    key = jax.random.key(seed)
    ks = jax.random.split(key, 6)
    u = jax.random.randint(ks[0], (BATCH,), 0, N_USERS, dtype=jnp.int64 if jax.config.jax_enable_x64 else jnp.int32).astype(jnp.int32)
    i = jax.random.randint(ks[1], (BATCH,), 0, N_ITEMS, dtype=jnp.int64 if jax.config.jax_enable_x64 else jnp.int32).astype(jnp.int32)
    uemb = jax.random.normal(ks[2], (N_USERS, EMB), dtype=jnp.float32)
    iemb = jax.random.normal(ks[3], (N_ITEMS, EMB), dtype=jnp.float32)
    ubias = jax.random.normal(ks[4], (N_USERS, 1), dtype=jnp.float32)
    ibias = jax.random.normal(ks[5], (N_ITEMS, 1), dtype=jnp.float32)
    gbias = jnp.array([GM], dtype=jnp.float32)
    return {"u": u, "i": i, "uemb": uemb, "iemb": iemb, "ubias": ubias, "ibias": ibias, "gbias": gbias}


def reference(u, i, uemb, iemb, ubias, ibias, gbias):
    u_v = jnp.take(uemb, u, axis=0)            # [B, EMB] gather
    i_v = jnp.take(iemb, i, axis=0)            # [B, EMB] gather
    dot = jnp.sum(u_v * i_v, axis=1)           # [B]
    b_u = jnp.take(ubias, u, axis=0).squeeze(-1)  # [B]
    b_i = jnp.take(ibias, i, axis=0).squeeze(-1)  # [B]
    return gbias + b_u + b_i + dot             # [B] (gbias [1] broadcasts)

if __name__ == "__main__":
    import jax
    _d = setup_inputs()
    print(jax.jit(kernel)(*tuple(_d.values())))

</pallas_src>

<mosaic_0001>
#map = affine_map<(d0, d1) -> (0)>
#map1 = affine_map<(d0, d1) -> (0, 0)>
module attributes {stable_mosaic.version = 14 : i64} {
  func.func @_svd_body(%arg0: i32, %arg1: i32, %arg2: memref<16384xi32, #tpu.memory_space<hbm>>, %arg3: memref<16384xi32, #tpu.memory_space<hbm>>, %arg4: memref<1000000x128xf32, #tpu.memory_space<hbm>>, %arg5: memref<100000x128xf32, #tpu.memory_space<hbm>>, %arg6: memref<1000000xf32, #tpu.memory_space<hbm>>, %arg7: memref<100000xf32, #tpu.memory_space<hbm>>, %arg8: memref<1xf32, #tpu.memory_space<hbm>>, %arg9: memref<16384xf32, #tpu.memory_space<hbm>>, %arg10: memref<512xi32, #tpu.memory_space<vmem>>, %arg11: memref<512xi32, #tpu.memory_space<vmem>>, %arg12: memref<512xf32, #tpu.memory_space<vmem>>, %arg13: memref<512xf32, #tpu.memory_space<vmem>>, %arg14: memref<16xf32, #tpu.memory_space<vmem>>, %arg15: memref<128x128xf32, #tpu.memory_space<vmem>>, %arg16: memref<128x128xf32, #tpu.memory_space<vmem>>, %arg17: memref<128x128xf32, #tpu.memory_space<vmem>>, %arg18: memref<128x128xf32, #tpu.memory_space<vmem>>, %arg19: memref<512xf32, #tpu.memory_space<vmem>>, %arg20: memref<!tpu.dma_semaphore, #tpu.memory_space<semaphore_mem>>, %arg21: memref<!tpu.dma_semaphore, #tpu.memory_space<semaphore_mem>>, %arg22: memref<!tpu.dma_semaphore, #tpu.memory_space<semaphore_mem>>) attributes {dimension_semantics = [#tpu.dimension_semantics<core_parallel>, #tpu.dimension_semantics<subcore_parallel>], iteration_bounds = array<i64: 2, 16>, scalar_prefetch = 0 : i64, scratch_operands = 13 : i64, tpu.core_type = #tpu.core_type<sc_vector_subcore>, window_params = [{transform_indices = #map}, {transform_indices = #map}, {transform_indices = #map1}, {transform_indices = #map1}, {transform_indices = #map}, {transform_indices = #map}, {transform_indices = #map}, {transform_indices = #map}]} {
    %mul3A = arith.constant 2 : i32
    %mul3A_0 = arith.muli %arg1, %mul3A : i32
    %add3A = arith.addi %mul3A_0, %arg0 : i32
    %mul3A_1 = arith.constant 512 : i32
    %mul3A_2 = arith.muli %add3A, %mul3A_1 : i32
    "tpu.region"() ({
      %run_scoped3A = tpu.sem_alloc : memref<!tpu.dma_semaphore, #tpu.memory_space<semaphore_mem>>
      %dma_start3A_591 = tpu.memref_slice %arg2[%mul3A_2] : memref<16384xi32, #tpu.memory_space<hbm>> -> memref<512xi32, #tpu.memory_space<hbm>>
      %dma_start3A_592 = tpu.memref_slice %arg2[%mul3A_2] : memref<16384xi32, #tpu.memory_space<hbm>> -> memref<512xi32, #tpu.memory_space<hbm>>
      tpu.enqueue_dma source(%dma_start3A_592 : memref<512xi32, #tpu.memory_space<hbm>>) target(%arg10 : memref<512xi32, #tpu.memory_space<vmem>>) target_semaphore(%run_scoped3A : memref<!tpu.dma_semaphore, #tpu.memory_space<semaphore_mem>>)
      %dma_wait3A_593 = tpu.memref_slice %arg2[%mul3A_2] : memref<16384xi32, #tpu.memory_space<hbm>> -> memref<512xi32, #tpu.memory_space<hbm>>
      %dma_wait3A_594 = tpu.memref_slice %arg2[%mul3A_2] : memref<16384xi32, #tpu.memory_space<hbm>> -> memref<512xi32, #tpu.memory_space<hbm>>
      tpu.wait_dma2 semaphore(%run_scoped3A : memref<!tpu.dma_semaphore, #tpu.memory_space<semaphore_mem>>) src(%dma_wait3A_594 : memref<512xi32, #tpu.memory_space<hbm>>) dst(%arg10 : memref<512xi32, #tpu.memory_space<vmem>>)
      tpu.yield
    }) : () -> ()
    "tpu.region"() ({
      %run_scoped3A = tpu.sem_alloc : memref<!tpu.dma_semaphore, #tpu.memory_space<semaphore_mem>>
      %dma_start3A_591 = tpu.memref_slice %arg3[%mul3A_2] : memref<16384xi32, #tpu.memory_space<hbm>> -> memref<512xi32, #tpu.memory_space<hbm>>
      %dma_start3A_592 = tpu.memref_slice %arg3[%mul3A_2] : memref<16384xi32, #tpu.memory_space<hbm>> -> memref<512xi32, #tpu.memory_space<hbm>>
      tpu.enqueue_dma source(%dma_start3A_592 : memref<512xi32, #tpu.memory_space<hbm>>) target(%arg11 : memref<512xi32, #tpu.memory_space<vmem>>) target_semaphore(%run_scoped3A : memref<!tpu.dma_semaphore, #tpu.memory_space<semaphore_mem>>)
      %dma_wait3A_593 = tpu.memref_slice %arg3[%mul3A_2] : memref<16384xi32, #tpu.memory_space<hbm>> -> memref<512xi32, #tpu.memory_space<hbm>>
      %dma_wait3A_594 = tpu.memref_slice %arg3[%mul3A_2] : memref<16384xi32, #tpu.memory_space<hbm>> -> memref<512xi32, #tpu.memory_space<hbm>>
      tpu.wait_dma2 semaphore(%run_scoped3A : memref<!tpu.dma_semaphore, #tpu.memory_space<semaphore_mem>>) src(%dma_wait3A_594 : memref<512xi32, #tpu.memory_space<hbm>>) dst(%arg11 : memref<512xi32, #tpu.memory_space<vmem>>)
      tpu.yield
    }) : () -> ()
    "tpu.region"() ({
      %run_scoped3A = tpu.sem_alloc : memref<!tpu.dma_semaphore, #tpu.memory_space<semaphore_mem>>
      %dma_start3A_591 = arith.constant 0 : i32
      %dma_start3A_592 = tpu.memref_slice %arg14[%dma_start3A_591] : memref<16xf32, #tpu.memory_space<vmem>> -> memref<1xf32, #tpu.memory_space<vmem>>
      %dma_start3A_593 = arith.constant 0 : i32
      %dma_start3A_594 = tpu.memref_slice %arg14[%dma_start3A_593] : memref<16xf32, #tpu.memory_space<vmem>> -> memref<1xf32, #tpu.memory_space<vmem>>
      tpu.enqueue_dma source(%arg8 : memref<1xf32, #tpu.memory_space<hbm>>) target(%dma_start3A_594 : memref<1xf32, #tpu.memory_space<vmem>>) target_semaphore(%run_scoped3A : memref<!tpu.dma_semaphore, #tpu.memory_space<semaphore_mem>>)
      %dma_wait3A_595 = arith.constant 0 : i32
      %dma_wait3A_596 = tpu.memref_slice %arg14[%dma_wait3A_595] : memref<16xf32, #tpu.memory_space<vmem>> -> memref<1xf32, #tpu.memory_space<vmem>>
      %dma_wait3A_597 = arith.constant 0 : i32
      %dma_wait3A_598 = tpu.memref_slice %arg14[%dma_wait3A_597] : memref<16xf32, #tpu.memory_space<vmem>> -> memref<1xf32, #tpu.memory_space<vmem>>
      tpu.wait_dma2 semaphore(%run_scoped3A : memref<!tpu.dma_semaphore, #tpu.memory_space<semaphore_mem>>) src(%arg8 : memref<1xf32, #tpu.memory_space<hbm>>) dst(%dma_wait3A_598 : memref<1xf32, #tpu.memory_space<vmem>>)
      tpu.yield
    }) : () -> ()
    %dma_start3A = arith.constant 0 : i32
    %dma_start3A_3 = tpu.memref_slice %arg12[%dma_start3A] : memref<512xf32, #tpu.memory_space<vmem>> -> memref<128xf32, #tpu.memory_space<vmem>>
    %dma_start3A_4 = arith.constant 0 : i32
    %dma_start3A_5 = tpu.memref_slice %arg10[%dma_start3A_4] : memref<512xi32, #tpu.memory_space<vmem>> -> memref<128xi32, #tpu.memory_space<vmem>>
    %dma_start3A_6 = arith.constant 0 : i32
    %dma_start3A_7 = tpu.memref_slice %arg6[%dma_start3A_6] : memref<1000000xf32, #tpu.memory_space<hbm>> -> memref<1000000xf32, #tpu.memory_space<hbm>>
    tpu.enqueue_indirect_dma source(%dma_start3A_7 : memref<1000000xf32, #tpu.memory_space<hbm>>) target(%dma_start3A_3 : memref<128xf32, #tpu.memory_space<vmem>>) offsets(%dma_start3A_5 : memref<128xi32, #tpu.memory_space<vmem>>) semaphore(%arg22 : memref<!tpu.dma_semaphore, #tpu.memory_space<semaphore_mem>>)
    %dma_start3A_8 = arith.constant 0 : i32
    %dma_start3A_9 = tpu.memref_slice %arg13[%dma_start3A_8] : memref<512xf32, #tpu.memory_space<vmem>> -> memref<128xf32, #tpu.memory_space<vmem>>
    %dma_start3A_10 = arith.constant 0 : i32
    %dma_start3A_11 = tpu.memref_slice %arg11[%dma_start3A_10] : memref<512xi32, #tpu.memory_space<vmem>> -> memref<128xi32, #tpu.memory_space<vmem>>
    %dma_start3A_12 = arith.constant 0 : i32
    %dma_start3A_13 = tpu.memref_slice %arg7[%dma_start3A_12] : memref<100000xf32, #tpu.memory_space<hbm>> -> memref<100000xf32, #tpu.memory_space<hbm>>
    tpu.enqueue_indirect_dma source(%dma_start3A_13 : memref<100000xf32, #tpu.memory_space<hbm>>) target(%dma_start3A_9 : memref<128xf32, #tpu.memory_space<vmem>>) offsets(%dma_start3A_11 : memref<128xi32, #tpu.memory_space<vmem>>) semaphore(%arg22 : memref<!tpu.dma_semaphore, #tpu.memory_space<semaphore_mem>>)
    %dma_start3A_14 = arith.constant 128 : i32
    %dma_start3A_15 = tpu.memref_slice %arg12[%dma_start3A_14] : memref<512xf32, #tpu.memory_space<vmem>> -> memref<128xf32, #tpu.memory_space<vmem>>
    %dma_start3A_16 = arith.constant 128 : i32
    %dma_start3A_17 = tpu.memref_slice %arg10[%dma_start3A_16] : memref<512xi32, #tpu.memory_space<vmem>> -> memref<128xi32, #tpu.memory_space<vmem>>
    %dma_start3A_18 = arith.constant 0 : i32
    %dma_start3A_19 = tpu.memref_slice %arg6[%dma_start3A_18] : memref<1000000xf32, #tpu.memory_space<hbm>> -> memref<1000000xf32, #tpu.memory_space<hbm>>
    tpu.enqueue_indirect_dma source(%dma_start3A_19 : memref<1000000xf32, #tpu.memory_space<hbm>>) target(%dma_start3A_15 : memref<128xf32, #tpu.memory_space<vmem>>) offsets(%dma_start3A_17 : memref<128xi32, #tpu.memory_space<vmem>>) semaphore(%arg22 : memref<!tpu.dma_semaphore, #tpu.memory_space<semaphore_mem>>)
    %dma_start3A_20 = arith.constant 128 : i32
    %dma_start3A_21 = tpu.memref_slice %arg13[%dma_start3A_20] : memref<512xf32, #tpu.memory_space<vmem>> -> memref<128xf32, #tpu.memory_space<vmem>>
    %dma_start3A_22 = arith.constant 128 : i32
    %dma_start3A_23 = tpu.memref_slice %arg11[%dma_start3A_22] : memref<512xi32, #tpu.memory_space<vmem>> -> memref<128xi32, #tpu.memory_space<vmem>>
    %dma_start3A_24 = arith.constant 0 : i32
    %dma_start3A_25 = tpu.memref_slice %arg7[%dma_start3A_24] : memref<100000xf32, #tpu.memory_space<hbm>> -> memref<100000xf32, #tpu.memory_space<hbm>>
    tpu.enqueue_indirect_dma source(%dma_start3A_25 : memref<100000xf32, #tpu.memory_space<hbm>>) target(%dma_start3A_21 : memref<128xf32, #tpu.memory_space<vmem>>) offsets(%dma_start3A_23 : memref<128xi32, #tpu.memory_space<vmem>>) semaphore(%arg22 : memref<!tpu.dma_semaphore, #tpu.memory_space<semaphore_mem>>)
    %dma_start3A_26 = arith.constant 256 : i32
    %dma_start3A_27 = tpu.memref_slice %arg12[%dma_start3A_26] : memref<512xf32, #tpu.memory_space<vmem>> -> memref<128xf32, #tpu.memory_space<vmem>>
    %dma_start3A_28 = arith.constant 256 : i32
    %dma_start3A_29 = tpu.memref_slice %arg10[%dma_start3A_28] : memref<512xi32, #tpu.memory_space<vmem>> -> memref<128xi32, #tpu.memory_space<vmem>>
    %dma_start3A_30 = arith.constant 0 : i32
    %dma_start3A_31 = tpu.memref_slice %arg6[%dma_start3A_30] : memref<1000000xf32, #tpu.memory_space<hbm>> -> memref<1000000xf32, #tpu.memory_space<hbm>>
    tpu.enqueue_indirect_dma source(%dma_start3A_31 : memref<1000000xf32, #tpu.memory_space<hbm>>) target(%dma_start3A_27 : memref<128xf32, #tpu.memory_space<vmem>>) offsets(%dma_start3A_29 : memref<128xi32, #tpu.memory_space<vmem>>) semaphore(%arg22 : memref<!tpu.dma_semaphore, #tpu.memory_space<semaphore_mem>>)
    %dma_start3A_32 = arith.constant 256 : i32
    %dma_start3A_33 = tpu.memref_slice %arg13[%dma_start3A_32] : memref<512xf32, #tpu.memory_space<vmem>> -> memref<128xf32, #tpu.memory_space<vmem>>
    %dma_start3A_34 = arith.constant 256 : i32
    %dma_start3A_35 = tpu.memref_slice %arg11[%dma_start3A_34] : memref<512xi32, #tpu.memory_space<vmem>> -> memref<128xi32, #tpu.memory_space<vmem>>
    %dma_start3A_36 = arith.constant 0 : i32
    %dma_start3A_37 = tpu.memref_slice %arg7[%dma_start3A_36] : memref<100000xf32, #tpu.memory_space<hbm>> -> memref<100000xf32, #tpu.memory_space<hbm>>
    tpu.enqueue_indirect_dma source(%dma_start3A_37 : memref<100000xf32, #tpu.memory_space<hbm>>) target(%dma_start3A_33 : memref<128xf32, #tpu.memory_space<vmem>>) offsets(%dma_start3A_35 : memref<128xi32, #tpu.memory_space<vmem>>) semaphore(%arg22 : memref<!tpu.dma_semaphore, #tpu.memory_space<semaphore_mem>>)
    %dma_start3A_38 = arith.constant 384 : i32
    %dma_start3A_39 = tpu.memref_slice %arg12[%dma_start3A_38] : memref<512xf32, #tpu.memory_space<vmem>> -> memref<128xf32, #tpu.memory_space<vmem>>
    %dma_start3A_40 = arith.constant 384 : i32
    %dma_start3A_41 = tpu.memref_slice %arg10[%dma_start3A_40] : memref<512xi32, #tpu.memory_space<vmem>> -> memref<128xi32, #tpu.memory_space<vmem>>
    %dma_start3A_42 = arith.constant 0 : i32
    %dma_start3A_43 = tpu.memref_slice %arg6[%dma_start3A_42] : memref<1000000xf32, #tpu.memory_space<hbm>> -> memref<1000000xf32, #tpu.memory_space<hbm>>
    tpu.enqueue_indirect_dma source(%dma_start3A_43 : memref<1000000xf32, #tpu.memory_space<hbm>>) target(%dma_start3A_39 : memref<128xf32, #tpu.memory_space<vmem>>) offsets(%dma_start3A_41 : memref<128xi32, #tpu.memory_space<vmem>>) semaphore(%arg22 : memref<!tpu.dma_semaphore, #tpu.memory_space<semaphore_mem>>)
    %dma_start3A_44 = arith.constant 384 : i32
    %dma_start3A_45 = tpu.memref_slice %arg13[%dma_start3A_44] : memref<512xf32, #tpu.memory_space<vmem>> -> memref<128xf32, #tpu.memory_space<vmem>>
    %dma_start3A_46 = arith.constant 384 : i32
    %dma_start3A_47 = tpu.memref_slice %arg11[%dma_start3A_46] : memref<512xi32, #tpu.memory_space<vmem>> -> memref<128xi32, #tpu.memory_space<vmem>>
    %dma_start3A_48 = arith.constant 0 : i32
    %dma_start3A_49 = tpu.memref_slice %arg7[%dma_start3A_48] : memref<100000xf32, #tpu.memory_space<hbm>> -> memref<100000xf32, #tpu.memory_space<hbm>>
    tpu.enqueue_indirect_dma source(%dma_start3A_49 : memref<100000xf32, #tpu.memory_space<hbm>>) target(%dma_start3A_45 : memref<128xf32, #tpu.memory_space<vmem>>) offsets(%dma_start3A_47 : memref<128xi32, #tpu.memory_space<vmem>>) semaphore(%arg22 : memref<!tpu.dma_semaphore, #tpu.memory_space<semaphore_mem>>)
    %dma_start3A_50 = arith.constant 0 : i32
    %dma_start3A_51 = tpu.memref_slice %arg10[%dma_start3A_50] : memref<512xi32, #tpu.memory_space<vmem>> -> memref<128xi32, #tpu.memory_space<vmem>>
    %dma_start3A_52 = arith.constant 0 : i32
    %dma_start3A_53 = arith.constant 0 : i32
    %dma_start3A_54 = tpu.memref_slice %arg4[%dma_start3A_52, %dma_start3A_53] : memref<1000000x128xf32, #tpu.memory_space<hbm>> -> memref<1000000x128xf32, #tpu.memory_space<hbm>>
    tpu.enqueue_indirect_dma source(%dma_start3A_54 : memref<1000000x128xf32, #tpu.memory_space<hbm>>) target(%arg15 : memref<128x128xf32, #tpu.memory_space<vmem>>) offsets(%dma_start3A_51 : memref<128xi32, #tpu.memory_space<vmem>>) semaphore(%arg20 : memref<!tpu.dma_semaphore, #tpu.memory_space<semaphore_mem>>)
    %dma_start3A_55 = arith.constant 0 : i32
    %dma_start3A_56 = tpu.memref_slice %arg11[%dma_start3A_55] : memref<512xi32, #tpu.memory_space<vmem>> -> memref<128xi32, #tpu.memory_space<vmem>>
    %dma_start3A_57 = arith.constant 0 : i32
    %dma_start3A_58 = arith.constant 0 : i32
    %dma_start3A_59 = tpu.memref_slice %arg5[%dma_start3A_57, %dma_start3A_58] : memref<100000x128xf32, #tpu.memory_space<hbm>> -> memref<100000x128xf32, #tpu.memory_space<hbm>>
    tpu.enqueue_indirect_dma source(%dma_start3A_59 : memref<100000x128xf32, #tpu.memory_space<hbm>>) target(%arg17 : memref<128x128xf32, #tpu.memory_space<vmem>>) offsets(%dma_start3A_56 : memref<128xi32, #tpu.memory_space<vmem>>) semaphore(%arg20 : memref<!tpu.dma_semaphore, #tpu.memory_space<semaphore_mem>>)
    %dma_start3A_60 = arith.constant 128 : i32
    %dma_start3A_61 = tpu.memref_slice %arg10[%dma_start3A_60] : memref<512xi32, #tpu.memory_space<vmem>> -> memref<128xi32, #tpu.memory_space<vmem>>
    %dma_start3A_62 = arith.constant 0 : i32
    %dma_start3A_63 = arith.constant 0 : i32
    %dma_start3A_64 = tpu.memref_slice %arg4[%dma_start3A_62, %dma_start3A_63] : memref<1000000x128xf32, #tpu.memory_space<hbm>> -> memref<1000000x128xf32, #tpu.memory_space<hbm>>
    tpu.enqueue_indirect_dma source(%dma_start3A_64 : memref<1000000x128xf32, #tpu.memory_space<hbm>>) target(%arg16 : memref<128x128xf32, #tpu.memory_space<vmem>>) offsets(%dma_start3A_61 : memref<128xi32, #tpu.memory_space<vmem>>) semaphore(%arg21 : memref<!tpu.dma_semaphore, #tpu.memory_space<semaphore_mem>>)
    %dma_start3A_65 = arith.constant 128 : i32
    %dma_start3A_66 = tpu.memref_slice %arg11[%dma_start3A_65] : memref<512xi32, #tpu.memory_space<vmem>> -> memref<128xi32, #tpu.memory_space<vmem>>
    %dma_start3A_67 = arith.constant 0 : i32
    %dma_start3A_68 = arith.constant 0 : i32
    %dma_start3A_69 = tpu.memref_slice %arg5[%dma_start3A_67, %dma_start3A_68] : memref<100000x128xf32, #tpu.memory_space<hbm>> -> memref<100000x128xf32, #tpu.memory_space<hbm>>
    tpu.enqueue_indirect_dma source(%dma_start3A_69 : memref<100000x128xf32, #tpu.memory_space<hbm>>) target(%arg18 : memref<128x128xf32, #tpu.memory_space<vmem>>) offsets(%dma_start3A_66 : memref<128xi32, #tpu.memory_space<vmem>>) semaphore(%arg21 : memref<!tpu.dma_semaphore, #tpu.memory_space<semaphore_mem>>)
    %dma_wait3A = arith.constant 0 : i32
    %dma_wait3A_70 = tpu.memref_slice %arg10[%dma_wait3A] : memref<512xi32, #tpu.memory_space<vmem>> -> memref<128xi32, #tpu.memory_space<vmem>>
    %dma_wait3A_71 = arith.constant 0 : i32
    %dma_wait3A_72 = arith.constant 0 : i32
    %dma_wait3A_73 = tpu.memref_slice %arg4[%dma_wait3A_71, %dma_wait3A_72] : memref<1000000x128xf32, #tpu.memory_space<hbm>> -> memref<1000000x128xf32, #tpu.memory_space<hbm>>
    tpu.wait_indirect_dma semaphore(%arg20 : memref<!tpu.dma_semaphore, #tpu.memory_space<semaphore_mem>>) src(%dma_wait3A_73 : memref<1000000x128xf32, #tpu.memory_space<hbm>>) dst(%arg15 : memref<128x128xf32, #tpu.memory_space<vmem>>)
    %dma_wait3A_74 = arith.constant 0 : i32
    %dma_wait3A_75 = tpu.memref_slice %arg11[%dma_wait3A_74] : memref<512xi32, #tpu.memory_space<vmem>> -> memref<128xi32, #tpu.memory_space<vmem>>
    %dma_wait3A_76 = arith.constant 0 : i32
    %dma_wait3A_77 = arith.constant 0 : i32
    %dma_wait3A_78 = tpu.memref_slice %arg5[%dma_wait3A_76, %dma_wait3A_77] : memref<100000x128xf32, #tpu.memory_space<hbm>> -> memref<100000x128xf32, #tpu.memory_space<hbm>>
    tpu.wait_indirect_dma semaphore(%arg20 : memref<!tpu.dma_semaphore, #tpu.memory_space<semaphore_mem>>) src(%dma_wait3A_78 : memref<100000x128xf32, #tpu.memory_space<hbm>>) dst(%arg17 : memref<128x128xf32, #tpu.memory_space<vmem>>)
    %iota3A = tpu.iota {dimensions = array<i32: 0>} : vector<16xi32>
    %scan3A = arith.constant 0 : i32
    %scan3A_79 = arith.constant 0 : i32
    %scan3A_80 = arith.constant 8 : i32
    %scan3A_81 = arith.addi %scan3A_79, %scan3A_80 : i32
    %scan3A_82 = arith.constant 1 : i32
    %scan3A_83 = scf.for %scan3A_591 = %scan3A_79 to %scan3A_81 step %scan3A_82 iter_args(%scan3A_592 = %scan3A) -> (i32)  : i32 {
      %mul3A_593 = arith.constant 16 : i32
      %mul3A_594 = arith.muli %scan3A_591, %mul3A_593 : i32
      %broadcast_in_dim3A = arith.constant 0.000000e+00 : f32
      %broadcast_in_dim3A_595 = vector.broadcast %broadcast_in_dim3A : f32 to vector<16xf32>
      %scan3A_596 = arith.constant 0 : i32
      %scan3A_597 = arith.constant 16 : i32
      %scan3A_598 = arith.addi %scan3A_596, %scan3A_597 : i32
      %scan3A_599 = arith.constant 2 : i32
      %scan3A_600 = scf.for %scan3A_607 = %scan3A_596 to %scan3A_598 step %scan3A_599 iter_args(%scan3A_608 = %broadcast_in_dim3A_595) -> (vector<16xf32>)  : i32 {
        %add3A_609 = arith.addi %mul3A_594, %scan3A_607 : i32
        %get3A_610 = arith.index_cast %add3A_609 : i32 to index
        %get3A_611 = arith.constant 0 : index
        %get3A_612 = tpu.vector_load %arg15[%get3A_610, %get3A_611] {strides = array<i32>} : memref<128x128xf32, #tpu.memory_space<vmem>>, vector<16xf32>,
        %get3A_613 = arith.index_cast %add3A_609 : i32 to index
        %get3A_614 = arith.constant 0 : index
        %get3A_615 = tpu.vector_load %arg17[%get3A_613, %get3A_614] {strides = array<i32>} : memref<128x128xf32, #tpu.memory_space<vmem>>, vector<16xf32>,
        %mul3A_616 = arith.mulf %get3A_612, %get3A_615 : vector<16xf32>
        %get3A_617 = arith.index_cast %add3A_609 : i32 to index
        %get3A_618 = arith.constant 16 : index
        %get3A_619 = tpu.vector_load %arg15[%get3A_617, %get3A_618] {strides = array<i32>} : memref<128x128xf32, #tpu.memory_space<vmem>>, vector<16xf32>,
        %get3A_620 = arith.index_cast %add3A_609 : i32 to index
        %get3A_621 = arith.constant 16 : index
        %get3A_622 = tpu.vector_load %arg17[%get3A_620, %get3A_621] {strides = array<i32>} : memref<128x128xf32, #tpu.memory_space<vmem>>, vector<16xf32>,
        %mul3A_623 = arith.mulf %get3A_619, %get3A_622 : vector<16xf32>
        %add3A_624 = arith.addf %mul3A_616, %mul3A_623 : vector<16xf32>
        %get3A_625 = arith.index_cast %add3A_609 : i32 to index
        %get3A_626 = arith.constant 32 : index
        %get3A_627 = tpu.vector_load %arg15[%get3A_625, %get3A_626] {strides = array<i32>} : memref<128x128xf32, #tpu.memory_space<vmem>>, vector<16xf32>,
        %get3A_628 = arith.index_cast %add3A_609 : i32 to index
        %get3A_629 = arith.constant 32 : index
        %get3A_630 = tpu.vector_load %arg17[%get3A_628, %get3A_629] {strides = array<i32>} : memref<128x128xf32, #tpu.memory_space<vmem>>, vector<16xf32>,
        %mul3A_631 = arith.mulf %get3A_627, %get3A_630 : vector<16xf32>
        %add3A_632 = arith.addf %add3A_624, %mul3A_631 : vector<16xf32>
        %get3A_633 = arith.index_cast %add3A_609 : i32 to index
        %get3A_634 = arith.constant 48 : index
        %get3A_635 = tpu.vector_load %arg15[%get3A_633, %get3A_634] {strides = array<i32>} : memref<128x128xf32, #tpu.memory_space<vmem>>, vector<16xf32>,
        %get3A_636 = arith.index_cast %add3A_609 : i32 to index
        %get3A_637 = arith.constant 48 : index
        %get3A_638 = tpu.vector_load %arg17[%get3A_636, %get3A_637] {strides = array<i32>} : memref<128x128xf32, #tpu.memory_space<vmem>>, vector<16xf32>,
        %mul3A_639 = arith.mulf %get3A_635, %get3A_638 : vector<16xf32>
        %add3A_640 = arith.addf %add3A_632, %mul3A_639 : vector<16xf32>
        %get3A_641 = arith.index_cast %add3A_609 : i32 to index
        %get3A_642 = arith.constant 64 : index
        %get3A_643 = tpu.vector_load %arg15[%get3A_641, %get3A_642] {strides = array<i32>} : memref<128x128xf32, #tpu.memory_space<vmem>>, vector<16xf32>,
        %get3A_644 = arith.index_cast %add3A_609 : i32 to index
        %get3A_645 = arith.constant 64 : index
        %get3A_646 = tpu.vector_load %arg17[%get3A_644, %get3A_645] {strides = array<i32>} : memref<128x128xf32, #tpu.memory_space<vmem>>, vector<16xf32>,
        %mul3A_647 = arith.mulf %get3A_643, %get3A_646 : vector<16xf32>
        %add3A_648 = arith.addf %add3A_640, %mul3A_647 : vector<16xf32>
        %get3A_649 = arith.index_cast %add3A_609 : i32 to index
        %get3A_650 = arith.constant 80 : index
        %get3A_651 = tpu.vector_load %arg15[%get3A_649, %get3A_650] {strides = array<i32>} : memref<128x128xf32, #tpu.memory_space<vmem>>, vector<16xf32>,
        %get3A_652 = arith.index_cast %add3A_609 : i32 to index
        %get3A_653 = arith.constant 80 : index
        %get3A_654 = tpu.vector_load %arg17[%get3A_652, %get3A_653] {strides = array<i32>} : memref<128x128xf32, #tpu.memory_space<vmem>>, vector<16xf32>,
        %mul3A_655 = arith.mulf %get3A_651, %get3A_654 : vector<16xf32>
        %add3A_656 = arith.addf %add3A_648, %mul3A_655 : vector<16xf32>
        %get3A_657 = arith.index_cast %add3A_609 : i32 to index
        %get3A_658 = arith.constant 96 : index
        %get3A_659 = tpu.vector_load %arg15[%get3A_657, %get3A_658] {strides = array<i32>} : memref<128x128xf32, #tpu.memory_space<vmem>>, vector<16xf32>,
        %get3A_660 = arith.index_cast %add3A_609 : i32 to index
        %get3A_661 = arith.constant 96 : index
        %get3A_662 = tpu.vector_load %arg17[%get3A_660, %get3A_661] {strides = array<i32>} : memref<128x128xf32, #tpu.memory_space<vmem>>, vector<16xf32>,
        %mul3A_663 = arith.mulf %get3A_659, %get3A_662 : vector<16xf32>
        %add3A_664 = arith.addf %add3A_656, %mul3A_663 : vector<16xf32>
        %get3A_665 = arith.index_cast %add3A_609 : i32 to index
        %get3A_666 = arith.constant 112 : index
        %get3A_667 = tpu.vector_load %arg15[%get3A_665, %get3A_666] {strides = array<i32>} : memref<128x128xf32, #tpu.memory_space<vmem>>, vector<16xf32>,
        %get3A_668 = arith.index_cast %add3A_609 : i32 to index
        %get3A_669 = arith.constant 112 : index
        %get3A_670 = tpu.vector_load %arg17[%get3A_668, %get3A_669] {strides = array<i32>} : memref<128x128xf32, #tpu.memory_space<vmem>>, vector<16xf32>,
        %mul3A_671 = arith.mulf %get3A_667, %get3A_670 : vector<16xf32>
        %add3A_672 = arith.addf %add3A_664, %mul3A_671 : vector<16xf32>
        %eq3A = vector.broadcast %scan3A_607 : i32 to vector<16xi32>
        %eq3A_673 = arith.cmpi eq, %iota3A, %eq3A : vector<16xi32>
        %reduce_sum3A = arith.constant true
        %reduce_sum3A_674 = vector.broadcast %reduce_sum3A : i1 to vector<16xi1>
        %reduce_sum3A_675 = tpu.scan <sum>, %add3A_672 masked %reduce_sum3A_674 : vector<16xf32>, vector<16xi1> -> vector<16xf32>
        %reduce_sum3A_676 = vector.extract %reduce_sum3A_675[15] : f32 from vector<16xf32>
        %broadcast_in_dim3A_677 = vector.broadcast %reduce_sum3A_676 : f32 to vector<16xf32>
        %select_n3A = arith.select %eq3A_673, %broadcast_in_dim3A_677, %scan3A_608 : vector<16xi1>, vector<16xf32>
        %scan3A_678 = arith.constant 1 : i32
        %scan3A_679 = arith.addi %scan3A_607, %scan3A_678 : i32
        %add3A_680 = arith.addi %mul3A_594, %scan3A_679 : i32
        %get3A_681 = arith.index_cast %add3A_680 : i32 to index
        %get3A_682 = arith.constant 0 : index
        %get3A_683 = tpu.vector_load %arg15[%get3A_681, %get3A_682] {strides = array<i32>} : memref<128x128xf32, #tpu.memory_space<vmem>>, vector<16xf32>,
        %get3A_684 = arith.index_cast %add3A_680 : i32 to index
        %get3A_685 = arith.constant 0 : index
        %get3A_686 = tpu.vector_load %arg17[%get3A_684, %get3A_685] {strides = array<i32>} : memref<128x128xf32, #tpu.memory_space<vmem>>, vector<16xf32>,
        %mul3A_687 = arith.mulf %get3A_683, %get3A_686 : vector<16xf32>
        %get3A_688 = arith.index_cast %add3A_680 : i32 to index
        %get3A_689 = arith.constant 16 : index
        %get3A_690 = tpu.vector_load %arg15[%get3A_688, %get3A_689] {strides = array<i32>} : memref<128x128xf32, #tpu.memory_space<vmem>>, vector<16xf32>,
        %get3A_691 = arith.index_cast %add3A_680 : i32 to index
        %get3A_692 = arith.constant 16 : index
        %get3A_693 = tpu.vector_load %arg17[%get3A_691, %get3A_692] {strides = array<i32>} : memref<128x128xf32, #tpu.memory_space<vmem>>, vector<16xf32>,
        %mul3A_694 = arith.mulf %get3A_690, %get3A_693 : vector<16xf32>
        %add3A_695 = arith.addf %mul3A_687, %mul3A_694 : vector<16xf32>
        %get3A_696 = arith.index_cast %add3A_680 : i32 to index
        %get3A_697 = arith.constant 32 : index
        %get3A_698 = tpu.vector_load %arg15[%get3A_696, %get3A_697] {strides = array<i32>} : memref<128x128xf32, #tpu.memory_space<vmem>>, vector<16xf32>,
        %get3A_699 = arith.index_cast %add3A_680 : i32 to index
        %get3A_700 = arith.constant 32 : index
        %get3A_701 = tpu.vector_load %arg17[%get3A_699, %get3A_700] {strides = array<i32>} : memref<128x128xf32, #tpu.memory_space<vmem>>, vector<16xf32>,
        %mul3A_702 = arith.mulf %get3A_698, %get3A_701 : vector<16xf32>
        %add3A_703 = arith.addf %add3A_695, %mul3A_702 : vector<16xf32>
        %get3A_704 = arith.index_cast %add3A_680 : i32 to index
        %get3A_705 = arith.constant 48 : index
        %get3A_706 = tpu.vector_load %arg15[%get3A_704, %get3A_705] {strides = array<i32>} : memref<128x128xf32, #tpu.memory_space<vmem>>, vector<16xf32>,
        %get3A_707 = arith.index_cast %add3A_680 : i32 to index
        %get3A_708 = arith.constant 48 : index
        %get3A_709 = tpu.vector_load %arg17[%get3A_707, %get3A_708] {strides = array<i32>} : memref<128x128xf32, #tpu.memory_space<vmem>>, vector<16xf32>,
        %mul3A_710 = arith.mulf %get3A_706, %get3A_709 : vector<16xf32>
        %add3A_711 = arith.addf %add3A_703, %mul3A_710 : vector<16xf32>
        %get3A_712 = arith.index_cast %add3A_680 : i32 to index
        %get3A_713 = arith.constant 64 : index
        %get3A_714 = tpu.vector_load %arg15[%get3A_712, %get3A_713] {strides = array<i32>} : memref<128x128xf32, #tpu.memory_space<vmem>>, vector<16xf32>,
        %get3A_715 = arith.index_cast %add3A_680 : i32 to index
        %get3A_716 = arith.constant 64 : index
        %get3A_717 = tpu.vector_load %arg17[%get3A_715, %get3A_716] {strides = array<i32>} : memref<128x128xf32, #tpu.memory_space<vmem>>, vector<16xf32>,
        %mul3A_718 = arith.mulf %get3A_714, %get3A_717 : vector<16xf32>
        %add3A_719 = arith.addf %add3A_711, %mul3A_718 : vector<16xf32>
        %get3A_720 = arith.index_cast %add3A_680 : i32 to index
        %get3A_721 = arith.constant 80 : index
        %get3A_722 = tpu.vector_load %arg15[%get3A_720, %get3A_721] {strides = array<i32>} : memref<128x128xf32, #tpu.memory_space<vmem>>, vector<16xf32>,
        %get3A_723 = arith.index_cast %add3A_680 : i32 to index
        %get3A_724 = arith.constant 80 : index
        %get3A_725 = tpu.vector_load %arg17[%get3A_723, %get3A_724] {strides = array<i32>} : memref<128x128xf32, #tpu.memory_space<vmem>>, vector<16xf32>,
        %mul3A_726 = arith.mulf %get3A_722, %get3A_725 : vector<16xf32>
        %add3A_727 = arith.addf %add3A_719, %mul3A_726 : vector<16xf32>
        %get3A_728 = arith.index_cast %add3A_680 : i32 to index
        %get3A_729 = arith.constant 96 : index
        %get3A_730 = tpu.vector_load %arg15[%get3A_728, %get3A_729] {strides = array<i32>} : memref<128x128xf32, #tpu.memory_space<vmem>>, vector<16xf32>,
        %get3A_731 = arith.index_cast %add3A_680 : i32 to index
        %get3A_732 = arith.constant 96 : index
        %get3A_733 = tpu.vector_load %arg17[%get3A_731, %get3A_732] {strides = array<i32>} : memref<128x128xf32, #tpu.memory_space<vmem>>, vector<16xf32>,
        %mul3A_734 = arith.mulf %get3A_730, %get3A_733 : vector<16xf32>
        %add3A_735 = arith.addf %add3A_727, %mul3A_734 : vector<16xf32>
        %get3A_736 = arith.index_cast %add3A_680 : i32 to index
        %get3A_737 = arith.constant 112 : index
        %get3A_738 = tpu.vector_load %arg15[%get3A_736, %get3A_737] {strides = array<i32>} : memref<128x128xf32, #tpu.memory_space<vmem>>, vector<16xf32>,
        %get3A_739 = arith.index_cast %add3A_680 : i32 to index
        %get3A_740 = arith.constant 112 : index
        %get3A_741 = tpu.vector_load %arg17[%get3A_739, %get3A_740] {strides = array<i32>} : memref<128x128xf32, #tpu.memory_space<vmem>>, vector<16xf32>,
        %mul3A_742 = arith.mulf %get3A_738, %get3A_741 : vector<16xf32>
        %add3A_743 = arith.addf %add3A_735, %mul3A_742 : vector<16xf32>
        %eq3A_744 = vector.broadcast %scan3A_679 : i32 to vector<16xi32>
        %eq3A_745 = arith.cmpi eq, %iota3A, %eq3A_744 : vector<16xi32>
        %reduce_sum3A_746 = arith.constant true
        %reduce_sum3A_747 = vector.broadcast %reduce_sum3A_746 : i1 to vector<16xi1>
        %reduce_sum3A_748 = tpu.scan <sum>, %add3A_743 masked %reduce_sum3A_747 : vector<16xf32>, vector<16xi1> -> vector<16xf32>
        %reduce_sum3A_749 = vector.extract %reduce_sum3A_748[15] : f32 from vector<16xf32>
        %broadcast_in_dim3A_750 = vector.broadcast %reduce_sum3A_749 : f32 to vector<16xf32>
        %select_n3A_751 = arith.select %eq3A_745, %broadcast_in_dim3A_750, %select_n3A : vector<16xi1>, vector<16xf32>
        scf.yield %select_n3A_751 : vector<16xf32>
      }
      %scan3A_601 = arith.constant 16 : i32
      %add3A_602 = arith.constant 0 : i32
      %add3A_603 = arith.addi %add3A_602, %mul3A_594 : i32
      %swap3A_604 = arith.index_cast %add3A_603 : i32 to index
      %swap3A_605 = tpu.vector_load %arg19[%swap3A_604] {strides = array<i32>} : memref<512xf32, #tpu.memory_space<vmem>>, vector<16xf32>,
      tpu.vector_store %arg19[%swap3A_604], %scan3A_600 {strides = array<i32>} : memref<512xf32, #tpu.memory_space<vmem>>, vector<16xf32>,
      %scan3A_606 = arith.constant 0 : i32
      scf.yield %scan3A_606 : i32
    }
    %scan3A_84 = arith.constant 8 : i32
    %dma_start3A_85 = arith.constant 256 : i32
    %dma_start3A_86 = tpu.memref_slice %arg10[%dma_start3A_85] : memref<512xi32, #tpu.memory_space<vmem>> -> memref<128xi32, #tpu.memory_space<vmem>>
    %dma_start3A_87 = arith.constant 0 : i32
    %dma_start3A_88 = arith.constant 0 : i32
    %dma_start3A_89 = tpu.memref_slice %arg4[%dma_start3A_87, %dma_start3A_88] : memref<1000000x128xf32, #tpu.memory_space<hbm>> -> memref<1000000x128xf32, #tpu.memory_space<hbm>>
    tpu.enqueue_indirect_dma source(%dma_start3A_89 : memref<1000000x128xf32, #tpu.memory_space<hbm>>) target(%arg15 : memref<128x128xf32, #tpu.memory_space<vmem>>) offsets(%dma_start3A_86 : memref<128xi32, #tpu.memory_space<vmem>>) semaphore(%arg20 : memref<!tpu.dma_semaphore, #tpu.memory_space<semaphore_mem>>)
    %dma_start3A_90 = arith.constant 256 : i32
    %dma_start3A_91 = tpu.memref_slice %arg11[%dma_start3A_90] : memref<512xi32, #tpu.memory_space<vmem>> -> memref<128xi32, #tpu.memory_space<vmem>>
    %dma_start3A_92 = arith.constant 0 : i32
    %dma_start3A_93 = arith.constant 0 : i32
    %dma_start3A_94 = tpu.memref_slice %arg5[%dma_start3A_92, %dma_start3A_93] : memref<100000x128xf32, #tpu.memory_space<hbm>> -> memref<100000x128xf32, #tpu.memory_space<hbm>>
    tpu.enqueue_indirect_dma source(%dma_start3A_94 : memref<100000x128xf32, #tpu.memory_space<hbm>>) target(%arg17 : memref<128x128xf32, #tpu.memory_space<vmem>>) offsets(%dma_start3A_91 : memref<128xi32, #tpu.memory_space<vmem>>) semaphore(%arg20 : memref<!tpu.dma_semaphore, #tpu.memory_space<semaphore_mem>>)
    %dma_wait3A_95 = arith.constant 128 : i32
    %dma_wait3A_96 = tpu.memref_slice %arg10[%dma_wait3A_95] : memref<512xi32, #tpu.memory_space<vmem>> -> memref<128xi32, #tpu.memory_space<vmem>>
    %dma_wait3A_97 = arith.constant 0 : i32
    %dma_wait3A_98 = arith.constant 0 : i32
    %dma_wait3A_99 = tpu.memref_slice %arg4[%dma_wait3A_97, %dma_wait3A_98] : memref<1000000x128xf32, #tpu.memory_space<hbm>> -> memref<1000000x128xf32, #tpu.memory_space<hbm>>
    tpu.wait_indirect_dma semaphore(%arg21 : memref<!tpu.dma_semaphore, #tpu.memory_space<semaphore_mem>>) src(%dma_wait3A_99 : memref<1000000x128xf32, #tpu.memory_space<hbm>>) dst(%arg16 : memref<128x128xf32, #tpu.memory_space<vmem>>)
    %dma_wait3A_100 = arith.constant 128 : i32
    %dma_wait3A_101 = tpu.memref_slice %arg11[%dma_wait3A_100] : memref<512xi32, #tpu.memory_space<vmem>> -> memref<128xi32, #tpu.memory_space<vmem>>
    %dma_wait3A_102 = arith.constant 0 : i32
    %dma_wait3A_103 = arith.constant 0 : i32
    %dma_wait3A_104 = tpu.memref_slice %arg5[%dma_wait3A_102, %dma_wait3A_103] : memref<100000x128xf32, #tpu.memory_space<hbm>> -> memref<100000x128xf32, #tpu.memory_space<hbm>>
    tpu.wait_indirect_dma semaphore(%arg21 : memref<!tpu.dma_semaphore, #tpu.memory_space<semaphore_mem>>) src(%dma_wait3A_104 : memref<100000x128xf32, #tpu.memory_space<hbm>>) dst(%arg18 : memref<128x128xf32, #tpu.memory_space<vmem>>)
    %iota3A_105 = tpu.iota {dimensions = array<i32: 0>} : vector<16xi32>
    %scan3A_106 = arith.constant 0 : i32
    %scan3A_107 = arith.constant 0 : i32
    %scan3A_108 = arith.constant 8 : i32
    %scan3A_109 = arith.addi %scan3A_107, %scan3A_108 : i32
    %scan3A_110 = arith.constant 1 : i32
    %scan3A_111 = scf.for %scan3A_591 = %scan3A_107 to %scan3A_109 step %scan3A_110 iter_args(%scan3A_592 = %scan3A_106) -> (i32)  : i32 {
      %mul3A_593 = arith.constant 16 : i32
      %mul3A_594 = arith.muli %scan3A_591, %mul3A_593 : i32
      %broadcast_in_dim3A = arith.constant 0.000000e+00 : f32
      %broadcast_in_dim3A_595 = vector.broadcast %broadcast_in_dim3A : f32 to vector<16xf32>
      %scan3A_596 = arith.constant 0 : i32
      %scan3A_597 = arith.constant 16 : i32
      %scan3A_598 = arith.addi %scan3A_596, %scan3A_597 : i32
      %scan3A_599 = arith.constant 2 : i32
      %scan3A_600 = scf.for %scan3A_607 = %scan3A_596 to %scan3A_598 step %scan3A_599 iter_args(%scan3A_608 = %broadcast_in_dim3A_595) -> (vector<16xf32>)  : i32 {
        %add3A_609 = arith.addi %mul3A_594, %scan3A_607 : i32
        %get3A_610 = arith.index_cast %add3A_609 : i32 to index
        %get3A_611 = arith.constant 0 : index
        %get3A_612 = tpu.vector_load %arg16[%get3A_610, %get3A_611] {strides = array<i32>} : memref<128x128xf32, #tpu.memory_space<vmem>>, vector<16xf32>,
        %get3A_613 = arith.index_cast %add3A_609 : i32 to index
        %get3A_614 = arith.constant 0 : index
        %get3A_615 = tpu.vector_load %arg18[%get3A_613, %get3A_614] {strides = array<i32>} : memref<128x128xf32, #tpu.memory_space<vmem>>, vector<16xf32>,
        %mul3A_616 = arith.mulf %get3A_612, %get3A_615 : vector<16xf32>
        %get3A_617 = arith.index_cast %add3A_609 : i32 to index
        %get3A_618 = arith.constant 16 : index
        %get3A_619 = tpu.vector_load %arg16[%get3A_617, %get3A_618] {strides = array<i32>} : memref<128x128xf32, #tpu.memory_space<vmem>>, vector<16xf32>,
        %get3A_620 = arith.index_cast %add3A_609 : i32 to index
        %get3A_621 = arith.constant 16 : index
        %get3A_622 = tpu.vector_load %arg18[%get3A_620, %get3A_621] {strides = array<i32>} : memref<128x128xf32, #tpu.memory_space<vmem>>, vector<16xf32>,
        %mul3A_623 = arith.mulf %get3A_619, %get3A_622 : vector<16xf32>
        %add3A_624 = arith.addf %mul3A_616, %mul3A_623 : vector<16xf32>
        %get3A_625 = arith.index_cast %add3A_609 : i32 to index
        %get3A_626 = arith.constant 32 : index
        %get3A_627 = tpu.vector_load %arg16[%get3A_625, %get3A_626] {strides = array<i32>} : memref<128x128xf32, #tpu.memory_space<vmem>>, vector<16xf32>,
        %get3A_628 = arith.index_cast %add3A_609 : i32 to index
        %get3A_629 = arith.constant 32 : index
        %get3A_630 = tpu.vector_load %arg18[%get3A_628, %get3A_629] {strides = array<i32>} : memref<128x128xf32, #tpu.memory_space<vmem>>, vector<16xf32>,
        %mul3A_631 = arith.mulf %get3A_627, %get3A_630 : vector<16xf32>
        %add3A_632 = arith.addf %add3A_624, %mul3A_631 : vector<16xf32>
        %get3A_633 = arith.index_cast %add3A_609 : i32 to index
        %get3A_634 = arith.constant 48 : index
        %get3A_635 = tpu.vector_load %arg16[%get3A_633, %get3A_634] {strides = array<i32>} : memref<128x128xf32, #tpu.memory_space<vmem>>, vector<16xf32>,
        %get3A_636 = arith.index_cast %add3A_609 : i32 to index
        %get3A_637 = arith.constant 48 : index
        %get3A_638 = tpu.vector_load %arg18[%get3A_636, %get3A_637] {strides = array<i32>} : memref<128x128xf32, #tpu.memory_space<vmem>>, vector<16xf32>,
        %mul3A_639 = arith.mulf %get3A_635, %get3A_638 : vector<16xf32>
        %add3A_640 = arith.addf %add3A_632, %mul3A_639 : vector<16xf32>
        %get3A_641 = arith.index_cast %add3A_609 : i32 to index
        %get3A_642 = arith.constant 64 : index
        %get3A_643 = tpu.vector_load %arg16[%get3A_641, %get3A_642] {strides = array<i32>} : memref<128x128xf32, #tpu.memory_space<vmem>>, vector<16xf32>,
        %get3A_644 = arith.index_cast %add3A_609 : i32 to index
        %get3A_645 = arith.constant 64 : index
        %get3A_646 = tpu.vector_load %arg18[%get3A_644, %get3A_645] {strides = array<i32>} : memref<128x128xf32, #tpu.memory_space<vmem>>, vector<16xf32>,
        %mul3A_647 = arith.mulf %get3A_643, %get3A_646 : vector<16xf32>
        %add3A_648 = arith.addf %add3A_640, %mul3A_647 : vector<16xf32>
        %get3A_649 = arith.index_cast %add3A_609 : i32 to index
        %get3A_650 = arith.constant 80 : index
        %get3A_651 = tpu.vector_load %arg16[%get3A_649, %get3A_650] {strides = array<i32>} : memref<128x128xf32, #tpu.memory_space<vmem>>, vector<16xf32>,
        %get3A_652 = arith.index_cast %add3A_609 : i32 to index
        %get3A_653 = arith.constant 80 : index
        %get3A_654 = tpu.vector_load %arg18[%get3A_652, %get3A_653] {strides = array<i32>} : memref<128x128xf32, #tpu.memory_space<vmem>>, vector<16xf32>,
        %mul3A_655 = arith.mulf %get3A_651, %get3A_654 : vector<16xf32>
        %add3A_656 = arith.addf %add3A_648, %mul3A_655 : vector<16xf32>
        %get3A_657 = arith.index_cast %add3A_609 : i32 to index
        %get3A_658 = arith.constant 96 : index
        %get3A_659 = tpu.vector_load %arg16[%get3A_657, %get3A_658] {strides = array<i32>} : memref<128x128xf32, #tpu.memory_space<vmem>>, vector<16xf32>,
        %get3A_660 = arith.index_cast %add3A_609 : i32 to index
        %get3A_661 = arith.constant 96 : index
        %get3A_662 = tpu.vector_load %arg18[%get3A_660, %get3A_661] {strides = array<i32>} : memref<128x128xf32, #tpu.memory_space<vmem>>, vector<16xf32>,
        %mul3A_663 = arith.mulf %get3A_659, %get3A_662 : vector<16xf32>
        %add3A_664 = arith.addf %add3A_656, %mul3A_663 : vector<16xf32>
        %get3A_665 = arith.index_cast %add3A_609 : i32 to index
        %get3A_666 = arith.constant 112 : index
        %get3A_667 = tpu.vector_load %arg16[%get3A_665, %get3A_666] {strides = array<i32>} : memref<128x128xf32, #tpu.memory_space<vmem>>, vector<16xf32>,
        %get3A_668 = arith.index_cast %add3A_609 : i32 to index
        %get3A_669 = arith.constant 112 : index
        %get3A_670 = tpu.vector_load %arg18[%get3A_668, %get3A_669] {strides = array<i32>} : memref<128x128xf32, #tpu.memory_space<vmem>>, vector<16xf32>,
        %mul3A_671 = arith.mulf %get3A_667, %get3A_670 : vector<16xf32>
        %add3A_672 = arith.addf %add3A_664, %mul3A_671 : vector<16xf32>
        %eq3A = vector.broadcast %scan3A_607 : i32 to vector<16xi32>
        %eq3A_673 = arith.cmpi eq, %iota3A_105, %eq3A : vector<16xi32>
        %reduce_sum3A = arith.constant true
        %reduce_sum3A_674 = vector.broadcast %reduce_sum3A : i1 to vector<16xi1>
        %reduce_sum3A_675 = tpu.scan <sum>, %add3A_672 masked %reduce_sum3A_674 : vector<16xf32>, vector<16xi1> -> vector<16xf32>
        %reduce_sum3A_676 = vector.extract %reduce_sum3A_675[15] : f32 from vector<16xf32>
        %broadcast_in_dim3A_677 = vector.broadcast %reduce_sum3A_676 : f32 to vector<16xf32>
        %select_n3A = arith.select %eq3A_673, %broadcast_in_dim3A_677, %scan3A_608 : vector<16xi1>, vector<16xf32>
        %scan3A_678 = arith.constant 1 : i32
        %scan3A_679 = arith.addi %scan3A_607, %scan3A_678 : i32
        %add3A_680 = arith.addi %mul3A_594, %scan3A_679 : i32
        %get3A_681 = arith.index_cast %add3A_680 : i32 to index
        %get3A_682 = arith.constant 0 : index
        %get3A_683 = tpu.vector_load %arg16[%get3A_681, %get3A_682] {strides = array<i32>} : memref<128x128xf32, #tpu.memory_space<vmem>>, vector<16xf32>,
        %get3A_684 = arith.index_cast %add3A_680 : i32 to index
        %get3A_685 = arith.constant 0 : index
        %get3A_686 = tpu.vector_load %arg18[%get3A_684, %get3A_685] {strides = array<i32>} : memref<128x128xf32, #tpu.memory_space<vmem>>, vector<16xf32>,
        %mul3A_687 = arith.mulf %get3A_683, %get3A_686 : vector<16xf32>
        %get3A_688 = arith.index_cast %add3A_680 : i32 to index
        %get3A_689 = arith.constant 16 : index
        %get3A_690 = tpu.vector_load %arg16[%get3A_688, %get3A_689] {strides = array<i32>} : memref<128x128xf32, #tpu.memory_space<vmem>>, vector<16xf32>,
        %get3A_691 = arith.index_cast %add3A_680 : i32 to index
        %get3A_692 = arith.constant 16 : index
        %get3A_693 = tpu.vector_load %arg18[%get3A_691, %get3A_692] {strides = array<i32>} : memref<128x128xf32, #tpu.memory_space<vmem>>, vector<16xf32>,
        %mul3A_694 = arith.mulf %get3A_690, %get3A_693 : vector<16xf32>
        %add3A_695 = arith.addf %mul3A_687, %mul3A_694 : vector<16xf32>
        %get3A_696 = arith.index_cast %add3A_680 : i32 to index
        %get3A_697 = arith.constant 32 : index
        %get3A_698 = tpu.vector_load %arg16[%get3A_696, %get3A_697] {strides = array<i32>} : memref<128x128xf32, #tpu.memory_space<vmem>>, vector<16xf32>,
        %get3A_699 = arith.index_cast %add3A_680 : i32 to index
        %get3A_700 = arith.constant 32 : index
        %get3A_701 = tpu.vector_load %arg18[%get3A_699, %get3A_700] {strides = array<i32>} : memref<128x128xf32, #tpu.memory_space<vmem>>, vector<16xf32>,
        %mul3A_702 = arith.mulf %get3A_698, %get3A_701 : vector<16xf32>
        %add3A_703 = arith.addf %add3A_695, %mul3A_702 : vector<16xf32>
        %get3A_704 = arith.index_cast %add3A_680 : i32 to index
        %get3A_705 = arith.constant 48 : index
        %get3A_706 = tpu.vector_load %arg16[%get3A_704, %get3A_705] {strides = array<i32>} : memref<128x128xf32, #tpu.memory_space<vmem>>, vector<16xf32>,
        %get3A_707 = arith.index_cast %add3A_680 : i32 to index
        %get3A_708 = arith.constant 48 : index
        %get3A_709 = tpu.vector_load %arg18[%get3A_707, %get3A_708] {strides = array<i32>} : memref<128x128xf32, #tpu.memory_space<vmem>>, vector<16xf32>,
        %mul3A_710 = arith.mulf %get3A_706, %get3A_709 : vector<16xf32>
        %add3A_711 = arith.addf %add3A_703, %mul3A_710 : vector<16xf32>
        %get3A_712 = arith.index_cast %add3A_680 : i32 to index
        %get3A_713 = arith.constant 64 : index
        %get3A_714 = tpu.vector_load %arg16[%get3A_712, %get3A_713] {strides = array<i32>} : memref<128x128xf32, #tpu.memory_space<vmem>>, vector<16xf32>,
        %get3A_715 = arith.index_cast %add3A_680 : i32 to index
        %get3A_716 = arith.constant 64 : index
        %get3A_717 = tpu.vector_load %arg18[%get3A_715, %get3A_716] {strides = array<i32>} : memref<128x128xf32, #tpu.memory_space<vmem>>, vector<16xf32>,
        %mul3A_718 = arith.mulf %get3A_714, %get3A_717 : vector<16xf32>
        %add3A_719 = arith.addf %add3A_711, %mul3A_718 : vector<16xf32>
        %get3A_720 = arith.index_cast %add3A_680 : i32 to index
        %get3A_721 = arith.constant 80 : index
        %get3A_722 = tpu.vector_load %arg16[%get3A_720, %get3A_721] {strides = array<i32>} : memref<128x128xf32, #tpu.memory_space<vmem>>, vector<16xf32>,
        %get3A_723 = arith.index_cast %add3A_680 : i32 to index
        %get3A_724 = arith.constant 80 : index
        %get3A_725 = tpu.vector_load %arg18[%get3A_723, %get3A_724] {strides = array<i32>} : memref<128x128xf32, #tpu.memory_space<vmem>>, vector<16xf32>,
        %mul3A_726 = arith.mulf %get3A_722, %get3A_725 : vector<16xf32>
        %add3A_727 = arith.addf %add3A_719, %mul3A_726 : vector<16xf32>
        %get3A_728 = arith.index_cast %add3A_680 : i32 to index
        %get3A_729 = arith.constant 96 : index
        %get3A_730 = tpu.vector_load %arg16[%get3A_728, %get3A_729] {strides = array<i32>} : memref<128x128xf32, #tpu.memory_space<vmem>>, vector<16xf32>,
        %get3A_731 = arith.index_cast %add3A_680 : i32 to index
        %get3A_732 = arith.constant 96 : index
        %get3A_733 = tpu.vector_load %arg18[%get3A_731, %get3A_732] {strides = array<i32>} : memref<128x128xf32, #tpu.memory_space<vmem>>, vector<16xf32>,
        %mul3A_734 = arith.mulf %get3A_730, %get3A_733 : vector<16xf32>
        %add3A_735 = arith.addf %add3A_727, %mul3A_734 : vector<16xf32>
        %get3A_736 = arith.index_cast %add3A_680 : i32 to index
        %get3A_737 = arith.constant 112 : index
        %get3A_738 = tpu.vector_load %arg16[%get3A_736, %get3A_737] {strides = array<i32>} : memref<128x128xf32, #tpu.memory_space<vmem>>, vector<16xf32>,
        %get3A_739 = arith.index_cast %add3A_680 : i32 to index
        %get3A_740 = arith.constant 112 : index
        %get3A_741 = tpu.vector_load %arg18[%get3A_739, %get3A_740] {strides = array<i32>} : memref<128x128xf32, #tpu.memory_space<vmem>>, vector<16xf32>,
        %mul3A_742 = arith.mulf %get3A_738, %get3A_741 : vector<16xf32>
        %add3A_743 = arith.addf %add3A_735, %mul3A_742 : vector<16xf32>
        %eq3A_744 = vector.broadcast %scan3A_679 : i32 to vector<16xi32>
        %eq3A_745 = arith.cmpi eq, %iota3A_105, %eq3A_744 : vector<16xi32>
        %reduce_sum3A_746 = arith.constant true
        %reduce_sum3A_747 = vector.broadcast %reduce_sum3A_746 : i1 to vector<16xi1>
        %reduce_sum3A_748 = tpu.scan <sum>, %add3A_743 masked %reduce_sum3A_747 : vector<16xf32>, vector<16xi1> -> vector<16xf32>
        %reduce_sum3A_749 = vector.extract %reduce_sum3A_748[15] : f32 from vector<16xf32>
        %broadcast_in_dim3A_750 = vector.broadcast %reduce_sum3A_749 : f32 to vector<16xf32>
        %select_n3A_751 = arith.select %eq3A_745, %broadcast_in_dim3A_750, %select_n3A : vector<16xi1>, vector<16xf32>
        scf.yield %select_n3A_751 : vector<16xf32>
      }
      %scan3A_601 = arith.constant 16 : i32
      %add3A_602 = arith.constant 128 : i32
      %add3A_603 = arith.addi %add3A_602, %mul3A_594 : i32
      %swap3A_604 = arith.index_cast %add3A_603 : i32 to index
      %swap3A_605 = tpu.vector_load %arg19[%swap3A_604] {strides = array<i32>} : memref<512xf32, #tpu.memory_space<vmem>>, vector<16xf32>,
      tpu.vector_store %arg19[%swap3A_604], %scan3A_600 {strides = array<i32>} : memref<512xf32, #tpu.memory_space<vmem>>, vector<16xf32>,
      %scan3A_606 = arith.constant 0 : i32
      scf.yield %scan3A_606 : i32
    }
    %scan3A_112 = arith.constant 8 : i32
    %dma_start3A_113 = arith.constant 384 : i32
    %dma_start3A_114 = tpu.memref_slice %arg10[%dma_start3A_113] : memref<512xi32, #tpu.memory_space<vmem>> -> memref<128xi32, #tpu.memory_space<vmem>>
    %dma_start3A_115 = arith.constant 0 : i32
    %dma_start3A_116 = arith.constant 0 : i32
    %dma_start3A_117 = tpu.memref_slice %arg4[%dma_start3A_115, %dma_start3A_116] : memref<1000000x128xf32, #tpu.memory_space<hbm>> -> memref<1000000x128xf32, #tpu.memory_space<hbm>>
    tpu.enqueue_indirect_dma source(%dma_start3A_117 : memref<1000000x128xf32, #tpu.memory_space<hbm>>) target(%arg16 : memref<128x128xf32, #tpu.memory_space<vmem>>) offsets(%dma_start3A_114 : memref<128xi32, #tpu.memory_space<vmem>>) semaphore(%arg21 : memref<!tpu.dma_semaphore, #tpu.memory_space<semaphore_mem>>)
    %dma_start3A_118 = arith.constant 384 : i32
    %dma_start3A_119 = tpu.memref_slice %arg11[%dma_start3A_118] : memref<512xi32, #tpu.memory_space<vmem>> -> memref<128xi32, #tpu.memory_space<vmem>>
    %dma_start3A_120 = arith.constant 0 : i32
    %dma_start3A_121 = arith.constant 0 : i32
    %dma_start3A_122 = tpu.memref_slice %arg5[%dma_start3A_120, %dma_start3A_121] : memref<100000x128xf32, #tpu.memory_space<hbm>> -> memref<100000x128xf32, #tpu.memory_space<hbm>>
    tpu.enqueue_indirect_dma source(%dma_start3A_122 : memref<100000x128xf32, #tpu.memory_space<hbm>>) target(%arg18 : memref<128x128xf32, #tpu.memory_space<vmem>>) offsets(%dma_start3A_119 : memref<128xi32, #tpu.memory_space<vmem>>) semaphore(%arg21 : memref<!tpu.dma_semaphore, #tpu.memory_space<semaphore_mem>>)
    %dma_wait3A_123 = arith.constant 256 : i32
    %dma_wait3A_124 = tpu.memref_slice %arg10[%dma_wait3A_123] : memref<512xi32, #tpu.memory_space<vmem>> -> memref<128xi32, #tpu.memory_space<vmem>>
    %dma_wait3A_125 = arith.constant 0 : i32
    %dma_wait3A_126 = arith.constant 0 : i32
    %dma_wait3A_127 = tpu.memref_slice %arg4[%dma_wait3A_125, %dma_wait3A_126] : memref<1000000x128xf32, #tpu.memory_space<hbm>> -> memref<1000000x128xf32, #tpu.memory_space<hbm>>
    tpu.wait_indirect_dma semaphore(%arg20 : memref<!tpu.dma_semaphore, #tpu.memory_space<semaphore_mem>>) src(%dma_wait3A_127 : memref<1000000x128xf32, #tpu.memory_space<hbm>>) dst(%arg15 : memref<128x128xf32, #tpu.memory_space<vmem>>)
    %dma_wait3A_128 = arith.constant 256 : i32
    %dma_wait3A_129 = tpu.memref_slice %arg11[%dma_wait3A_128] : memref<512xi32, #tpu.memory_space<vmem>> -> memref<128xi32, #tpu.memory_space<vmem>>
    %dma_wait3A_130 = arith.constant 0 : i32
    %dma_wait3A_131 = arith.constant 0 : i32
    %dma_wait3A_132 = tpu.memref_slice %arg5[%dma_wait3A_130, %dma_wait3A_131] : memref<100000x128xf32, #tpu.memory_space<hbm>> -> memref<100000x128xf32, #tpu.memory_space<hbm>>
    tpu.wait_indirect_dma semaphore(%arg20 : memref<!tpu.dma_semaphore, #tpu.memory_space<semaphore_mem>>) src(%dma_wait3A_132 : memref<100000x128xf32, #tpu.memory_space<hbm>>) dst(%arg17 : memref<128x128xf32, #tpu.memory_space<vmem>>)
    %iota3A_133 = tpu.iota {dimensions = array<i32: 0>} : vector<16xi32>
    %scan3A_134 = arith.constant 0 : i32
    %scan3A_135 = arith.constant 0 : i32
    %scan3A_136 = arith.constant 8 : i32
    %scan3A_137 = arith.addi %scan3A_135, %scan3A_136 : i32
    %scan3A_138 = arith.constant 1 : i32
    %scan3A_139 = scf.for %scan3A_591 = %scan3A_135 to %scan3A_137 step %scan3A_138 iter_args(%scan3A_592 = %scan3A_134) -> (i32)  : i32 {
      %mul3A_593 = arith.constant 16 : i32
      %mul3A_594 = arith.muli %scan3A_591, %mul3A_593 : i32
      %broadcast_in_dim3A = arith.constant 0.000000e+00 : f32
      %broadcast_in_dim3A_595 = vector.broadcast %broadcast_in_dim3A : f32 to vector<16xf32>
      %scan3A_596 = arith.constant 0 : i32
      %scan3A_597 = arith.constant 16 : i32
      %scan3A_598 = arith.addi %scan3A_596, %scan3A_597 : i32
      %scan3A_599 = arith.constant 2 : i32
      %scan3A_600 = scf.for %scan3A_607 = %scan3A_596 to %scan3A_598 step %scan3A_599 iter_args(%scan3A_608 = %broadcast_in_dim3A_595) -> (vector<16xf32>)  : i32 {
        %add3A_609 = arith.addi %mul3A_594, %scan3A_607 : i32
        %get3A_610 = arith.index_cast %add3A_609 : i32 to index
        %get3A_611 = arith.constant 0 : index
        %get3A_612 = tpu.vector_load %arg15[%get3A_610, %get3A_611] {strides = array<i32>} : memref<128x128xf32, #tpu.memory_space<vmem>>, vector<16xf32>,
        %get3A_613 = arith.index_cast %add3A_609 : i32 to index
        %get3A_614 = arith.constant 0 : index
        %get3A_615 = tpu.vector_load %arg17[%get3A_613, %get3A_614] {strides = array<i32>} : memref<128x128xf32, #tpu.memory_space<vmem>>, vector<16xf32>,
        %mul3A_616 = arith.mulf %get3A_612, %get3A_615 : vector<16xf32>
        %get3A_617 = arith.index_cast %add3A_609 : i32 to index
        %get3A_618 = arith.constant 16 : index
        %get3A_619 = tpu.vector_load %arg15[%get3A_617, %get3A_618] {strides = array<i32>} : memref<128x128xf32, #tpu.memory_space<vmem>>, vector<16xf32>,
        %get3A_620 = arith.index_cast %add3A_609 : i32 to index
        %get3A_621 = arith.constant 16 : index
        %get3A_622 = tpu.vector_load %arg17[%get3A_620, %get3A_621] {strides = array<i32>} : memref<128x128xf32, #tpu.memory_space<vmem>>, vector<16xf32>,
        %mul3A_623 = arith.mulf %get3A_619, %get3A_622 : vector<16xf32>
        %add3A_624 = arith.addf %mul3A_616, %mul3A_623 : vector<16xf32>
        %get3A_625 = arith.index_cast %add3A_609 : i32 to index
        %get3A_626 = arith.constant 32 : index
        %get3A_627 = tpu.vector_load %arg15[%get3A_625, %get3A_626] {strides = array<i32>} : memref<128x128xf32, #tpu.memory_space<vmem>>, vector<16xf32>,
        %get3A_628 = arith.index_cast %add3A_609 : i32 to index
        %get3A_629 = arith.constant 32 : index
        %get3A_630 = tpu.vector_load %arg17[%get3A_628, %get3A_629] {strides = array<i32>} : memref<128x128xf32, #tpu.memory_space<vmem>>, vector<16xf32>,
        %mul3A_631 = arith.mulf %get3A_627, %get3A_630 : vector<16xf32>
        %add3A_632 = arith.addf %add3A_624, %mul3A_631 : vector<16xf32>
        %get3A_633 = arith.index_cast %add3A_609 : i32 to index
        %get3A_634 = arith.constant 48 : index
        %get3A_635 = tpu.vector_load %arg15[%get3A_633, %get3A_634] {strides = array<i32>} : memref<128x128xf32, #tpu.memory_space<vmem>>, vector<16xf32>,
        %get3A_636 = arith.index_cast %add3A_609 : i32 to index
        %get3A_637 = arith.constant 48 : index
        %get3A_638 = tpu.vector_load %arg17[%get3A_636, %get3A_637] {strides = array<i32>} : memref<128x128xf32, #tpu.memory_space<vmem>>, vector<16xf32>,
        %mul3A_639 = arith.mulf %get3A_635, %get3A_638 : vector<16xf32>
        %add3A_640 = arith.addf %add3A_632, %mul3A_639 : vector<16xf32>
        %get3A_641 = arith.index_cast %add3A_609 : i32 to index
        %get3A_642 = arith.constant 64 : index
        %get3A_643 = tpu.vector_load %arg15[%get3A_641, %get3A_642] {strides = array<i32>} : memref<128x128xf32, #tpu.memory_space<vmem>>, vector<16xf32>,
        %get3A_644 = arith.index_cast %add3A_609 : i32 to index
        %get3A_645 = arith.constant 64 : index
        %get3A_646 = tpu.vector_load %arg17[%get3A_644, %get3A_645] {strides = array<i32>} : memref<128x128xf32, #tpu.memory_space<vmem>>, vector<16xf32>,
        %mul3A_647 = arith.mulf %get3A_643, %get3A_646 : vector<16xf32>
        %add3A_648 = arith.addf %add3A_640, %mul3A_647 : vector<16xf32>
        %get3A_649 = arith.index_cast %add3A_609 : i32 to index
        %get3A_650 = arith.constant 80 : index
        %get3A_651 = tpu.vector_load %arg15[%get3A_649, %get3A_650] {strides = array<i32>} : memref<128x128xf32, #tpu.memory_space<vmem>>, vector<16xf32>,
        %get3A_652 = arith.index_cast %add3A_609 : i32 to index
        %get3A_653 = arith.constant 80 : index
        %get3A_654 = tpu.vector_load %arg17[%get3A_652, %get3A_653] {strides = array<i32>} : memref<128x128xf32, #tpu.memory_space<vmem>>, vector<16xf32>,
        %mul3A_655 = arith.mulf %get3A_651, %get3A_654 : vector<16xf32>
        %add3A_656 = arith.addf %add3A_648, %mul3A_655 : vector<16xf32>
        %get3A_657 = arith.index_cast %add3A_609 : i32 to index
        %get3A_658 = arith.constant 96 : index
        %get3A_659 = tpu.vector_load %arg15[%get3A_657, %get3A_658] {strides = array<i32>} : memref<128x128xf32, #tpu.memory_space<vmem>>, vector<16xf32>,
        %get3A_660 = arith.index_cast %add3A_609 : i32 to index
        %get3A_661 = arith.constant 96 : index
        %get3A_662 = tpu.vector_load %arg17[%get3A_660, %get3A_661] {strides = array<i32>} : memref<128x128xf32, #tpu.memory_space<vmem>>, vector<16xf32>,
        %mul3A_663 = arith.mulf %get3A_659, %get3A_662 : vector<16xf32>
        %add3A_664 = arith.addf %add3A_656, %mul3A_663 : vector<16xf32>
        %get3A_665 = arith.index_cast %add3A_609 : i32 to index
        %get3A_666 = arith.constant 112 : index
        %get3A_667 = tpu.vector_load %arg15[%get3A_665, %get3A_666] {strides = array<i32>} : memref<128x128xf32, #tpu.memory_space<vmem>>, vector<16xf32>,
        %get3A_668 = arith.index_cast %add3A_609 : i32 to index
        %get3A_669 = arith.constant 112 : index
        %get3A_670 = tpu.vector_load %arg17[%get3A_668, %get3A_669] {strides = array<i32>} : memref<128x128xf32, #tpu.memory_space<vmem>>, vector<16xf32>,
        %mul3A_671 = arith.mulf %get3A_667, %get3A_670 : vector<16xf32>
        %add3A_672 = arith.addf %add3A_664, %mul3A_671 : vector<16xf32>
        %eq3A = vector.broadcast %scan3A_607 : i32 to vector<16xi32>
        %eq3A_673 = arith.cmpi eq, %iota3A_133, %eq3A : vector<16xi32>
        %reduce_sum3A = arith.constant true
        %reduce_sum3A_674 = vector.broadcast %reduce_sum3A : i1 to vector<16xi1>
        %reduce_sum3A_675 = tpu.scan <sum>, %add3A_672 masked %reduce_sum3A_674 : vector<16xf32>, vector<16xi1> -> vector<16xf32>
        %reduce_sum3A_676 = vector.extract %reduce_sum3A_675[15] : f32 from vector<16xf32>
        %broadcast_in_dim3A_677 = vector.broadcast %reduce_sum3A_676 : f32 to vector<16xf32>
        %select_n3A = arith.select %eq3A_673, %broadcast_in_dim3A_677, %scan3A_608 : vector<16xi1>, vector<16xf32>
        %scan3A_678 = arith.constant 1 : i32
        %scan3A_679 = arith.addi %scan3A_607, %scan3A_678 : i32
        %add3A_680 = arith.addi %mul3A_594, %scan3A_679 : i32
        %get3A_681 = arith.index_cast %add3A_680 : i32 to index
        %get3A_682 = arith.constant 0 : index
        %get3A_683 = tpu.vector_load %arg15[%get3A_681, %get3A_682] {strides = array<i32>} : memref<128x128xf32, #tpu.memory_space<vmem>>, vector<16xf32>,
        %get3A_684 = arith.index_cast %add3A_680 : i32 to index
        %get3A_685 = arith.constant 0 : index
        %get3A_686 = tpu.vector_load %arg17[%get3A_684, %get3A_685] {strides = array<i32>} : memref<128x128xf32, #tpu.memory_space<vmem>>, vector<16xf32>,
        %mul3A_687 = arith.mulf %get3A_683, %get3A_686 : vector<16xf32>
        %get3A_688 = arith.index_cast %add3A_680 : i32 to index
        %get3A_689 = arith.constant 16 : index
        %get3A_690 = tpu.vector_load %arg15[%get3A_688, %get3A_689] {strides = array<i32>} : memref<128x128xf32, #tpu.memory_space<vmem>>, vector<16xf32>,
        %get3A_691 = arith.index_cast %add3A_680 : i32 to index
        %get3A_692 = arith.constant 16 : index
        %get3A_693 = tpu.vector_load %arg17[%get3A_691, %get3A_692] {strides = array<i32>} : memref<128x128xf32, #tpu.memory_space<vmem>>, vector<16xf32>,
        %mul3A_694 = arith.mulf %get3A_690, %get3A_693 : vector<16xf32>
        %add3A_695 = arith.addf %mul3A_687, %mul3A_694 : vector<16xf32>
        %get3A_696 = arith.index_cast %add3A_680 : i32 to index
        %get3A_697 = arith.constant 32 : index
        %get3A_698 = tpu.vector_load %arg15[%get3A_696, %get3A_697] {strides = array<i32>} : memref<128x128xf32, #tpu.memory_space<vmem>>, vector<16xf32>,
        %get3A_699 = arith.index_cast %add3A_680 : i32 to index
        %get3A_700 = arith.constant 32 : index
        %get3A_701 = tpu.vector_load %arg17[%get3A_699, %get3A_700] {strides = array<i32>} : memref<128x128xf32, #tpu.memory_space<vmem>>, vector<16xf32>,
        %mul3A_702 = arith.mulf %get3A_698, %get3A_701 : vector<16xf32>
        %add3A_703 = arith.addf %add3A_695, %mul3A_702 : vector<16xf32>
        %get3A_704 = arith.index_cast %add3A_680 : i32 to index
        %get3A_705 = arith.constant 48 : index
        %get3A_706 = tpu.vector_load %arg15[%get3A_704, %get3A_705] {strides = array<i32>} : memref<128x128xf32, #tpu.memory_space<vmem>>, vector<16xf32>,
        %get3A_707 = arith.index_cast %add3A_680 : i32 to index
        %get3A_708 = arith.constant 48 : index
        %get3A_709 = tpu.vector_load %arg17[%get3A_707, %get3A_708] {strides = array<i32>} : memref<128x128xf32, #tpu.memory_space<vmem>>, vector<16xf32>,
        %mul3A_710 = arith.mulf %get3A_706, %get3A_709 : vector<16xf32>
        %add3A_711 = arith.addf %add3A_703, %mul3A_710 : vector<16xf32>
        %get3A_712 = arith.index_cast %add3A_680 : i32 to index
        %get3A_713 = arith.constant 64 : index
        %get3A_714 = tpu.vector_load %arg15[%get3A_712, %get3A_713] {strides = array<i32>} : memref<128x128xf32, #tpu.memory_space<vmem>>, vector<16xf32>,
        %get3A_715 = arith.index_cast %add3A_680 : i32 to index
        %get3A_716 = arith.constant 64 : index
        %get3A_717 = tpu.vector_load %arg17[%get3A_715, %get3A_716] {strides = array<i32>} : memref<128x128xf32, #tpu.memory_space<vmem>>, vector<16xf32>,
        %mul3A_718 = arith.mulf %get3A_714, %get3A_717 : vector<16xf32>
        %add3A_719 = arith.addf %add3A_711, %mul3A_718 : vector<16xf32>
        %get3A_720 = arith.index_cast %add3A_680 : i32 to index
        %get3A_721 = arith.constant 80 : index
        %get3A_722 = tpu.vector_load %arg15[%get3A_720, %get3A_721] {strides = array<i32>} : memref<128x128xf32, #tpu.memory_space<vmem>>, vector<16xf32>,
        %get3A_723 = arith.index_cast %add3A_680 : i32 to index
        %get3A_724 = arith.constant 80 : index
        %get3A_725 = tpu.vector_load %arg17[%get3A_723, %get3A_724] {strides = array<i32>} : memref<128x128xf32, #tpu.memory_space<vmem>>, vector<16xf32>,
        %mul3A_726 = arith.mulf %get3A_722, %get3A_725 : vector<16xf32>
        %add3A_727 = arith.addf %add3A_719, %mul3A_726 : vector<16xf32>
        %get3A_728 = arith.index_cast %add3A_680 : i32 to index
        %get3A_729 = arith.constant 96 : index
        %get3A_730 = tpu.vector_load %arg15[%get3A_728, %get3A_729] {strides = array<i32>} : memref<128x128xf32, #tpu.memory_space<vmem>>, vector<16xf32>,
        %get3A_731 = arith.index_cast %add3A_680 : i32 to index
        %get3A_732 = arith.constant 96 : index
        %get3A_733 = tpu.vector_load %arg17[%get3A_731, %get3A_732] {strides = array<i32>} : memref<128x128xf32, #tpu.memory_space<vmem>>, vector<16xf32>,
        %mul3A_734 = arith.mulf %get3A_730, %get3A_733 : vector<16xf32>
        %add3A_735 = arith.addf %add3A_727, %mul3A_734 : vector<16xf32>
        %get3A_736 = arith.index_cast %add3A_680 : i32 to index
        %get3A_737 = arith.constant 112 : index
        %get3A_738 = tpu.vector_load %arg15[%get3A_736, %get3A_737] {strides = array<i32>} : memref<128x128xf32, #tpu.memory_space<vmem>>, vector<16xf32>,
        %get3A_739 = arith.index_cast %add3A_680 : i32 to index
        %get3A_740 = arith.constant 112 : index
        %get3A_741 = tpu.vector_load %arg17[%get3A_739, %get3A_740] {strides = array<i32>} : memref<128x128xf32, #tpu.memory_space<vmem>>, vector<16xf32>,
        %mul3A_742 = arith.mulf %get3A_738, %get3A_741 : vector<16xf32>
        %add3A_743 = arith.addf %add3A_735, %mul3A_742 : vector<16xf32>
        %eq3A_744 = vector.broadcast %scan3A_679 : i32 to vector<16xi32>
        %eq3A_745 = arith.cmpi eq, %iota3A_133, %eq3A_744 : vector<16xi32>
        %reduce_sum3A_746 = arith.constant true
        %reduce_sum3A_747 = vector.broadcast %reduce_sum3A_746 : i1 to vector<16xi1>
        %reduce_sum3A_748 = tpu.scan <sum>, %add3A_743 masked %reduce_sum3A_747 : vector<16xf32>, vector<16xi1> -> vector<16xf32>
        %reduce_sum3A_749 = vector.extract %reduce_sum3A_748[15] : f32 from vector<16xf32>
        %broadcast_in_dim3A_750 = vector.broadcast %reduce_sum3A_749 : f32 to vector<16xf32>
        %select_n3A_751 = arith.select %eq3A_745, %broadcast_in_dim3A_750, %select_n3A : vector<16xi1>, vector<16xf32>
        scf.yield %select_n3A_751 : vector<16xf32>
      }
      %scan3A_601 = arith.constant 16 : i32
      %add3A_602 = arith.constant 256 : i32
      %add3A_603 = arith.addi %add3A_602, %mul3A_594 : i32
      %swap3A_604 = arith.index_cast %add3A_603 : i32 to index
      %swap3A_605 = tpu.vector_load %arg19[%swap3A_604] {strides = array<i32>} : memref<512xf32, #tpu.memory_space<vmem>>, vector<16xf32>,
      tpu.vector_store %arg19[%swap3A_604], %scan3A_600 {strides = array<i32>} : memref<512xf32, #tpu.memory_space<vmem>>, vector<16xf32>,
      %scan3A_606 = arith.constant 0 : i32
      scf.yield %scan3A_606 : i32
    }
    %scan3A_140 = arith.constant 8 : i32
    %dma_wait3A_141 = arith.constant 384 : i32
    %dma_wait3A_142 = tpu.memref_slice %arg10[%dma_wait3A_141] : memref<512xi32, #tpu.memory_space<vmem>> -> memref<128xi32, #tpu.memory_space<vmem>>
    %dma_wait3A_143 = arith.constant 0 : i32
    %dma_wait3A_144 = arith.constant 0 : i32
    %dma_wait3A_145 = tpu.memref_slice %arg4[%dma_wait3A_143, %dma_wait3A_144] : memref<1000000x128xf32, #tpu.memory_space<hbm>> -> memref<1000000x128xf32, #tpu.memory_space<hbm>>
    tpu.wait_indirect_dma semaphore(%arg21 : memref<!tpu.dma_semaphore, #tpu.memory_space<semaphore_mem>>) src(%dma_wait3A_145 : memref<1000000x128xf32, #tpu.memory_space<hbm>>) dst(%arg16 : memref<128x128xf32, #tpu.memory_space<vmem>>)
    %dma_wait3A_146 = arith.constant 384 : i32
    %dma_wait3A_147 = tpu.memref_slice %arg11[%dma_wait3A_146] : memref<512xi32, #tpu.memory_space<vmem>> -> memref<128xi32, #tpu.memory_space<vmem>>
    %dma_wait3A_148 = arith.constant 0 : i32
    %dma_wait3A_149 = arith.constant 0 : i32
    %dma_wait3A_150 = tpu.memref_slice %arg5[%dma_wait3A_148, %dma_wait3A_149] : memref<100000x128xf32, #tpu.memory_space<hbm>> -> memref<100000x128xf32, #tpu.memory_space<hbm>>
    tpu.wait_indirect_dma semaphore(%arg21 : memref<!tpu.dma_semaphore, #tpu.memory_space<semaphore_mem>>) src(%dma_wait3A_150 : memref<100000x128xf32, #tpu.memory_space<hbm>>) dst(%arg18 : memref<128x128xf32, #tpu.memory_space<vmem>>)
    %iota3A_151 = tpu.iota {dimensions = array<i32: 0>} : vector<16xi32>
    %scan3A_152 = arith.constant 0 : i32
    %scan3A_153 = arith.constant 0 : i32
    %scan3A_154 = arith.constant 8 : i32
    %scan3A_155 = arith.addi %scan3A_153, %scan3A_154 : i32
    %scan3A_156 = arith.constant 1 : i32
    %scan3A_157 = scf.for %scan3A_591 = %scan3A_153 to %scan3A_155 step %scan3A_156 iter_args(%scan3A_592 = %scan3A_152) -> (i32)  : i32 {
      %mul3A_593 = arith.constant 16 : i32
      %mul3A_594 = arith.muli %scan3A_591, %mul3A_593 : i32
      %broadcast_in_dim3A = arith.constant 0.000000e+00 : f32
      %broadcast_in_dim3A_595 = vector.broadcast %broadcast_in_dim3A : f32 to vector<16xf32>
      %scan3A_596 = arith.constant 0 : i32
      %scan3A_597 = arith.constant 16 : i32
      %scan3A_598 = arith.addi %scan3A_596, %scan3A_597 : i32
      %scan3A_599 = arith.constant 2 : i32
      %scan3A_600 = scf.for %scan3A_607 = %scan3A_596 to %scan3A_598 step %scan3A_599 iter_args(%scan3A_608 = %broadcast_in_dim3A_595) -> (vector<16xf32>)  : i32 {
        %add3A_609 = arith.addi %mul3A_594, %scan3A_607 : i32
        %get3A_610 = arith.index_cast %add3A_609 : i32 to index
        %get3A_611 = arith.constant 0 : index
        %get3A_612 = tpu.vector_load %arg16[%get3A_610, %get3A_611] {strides = array<i32>} : memref<128x128xf32, #tpu.memory_space<vmem>>, vector<16xf32>,
        %get3A_613 = arith.index_cast %add3A_609 : i32 to index
        %get3A_614 = arith.constant 0 : index
        %get3A_615 = tpu.vector_load %arg18[%get3A_613, %get3A_614] {strides = array<i32>} : memref<128x128xf32, #tpu.memory_space<vmem>>, vector<16xf32>,
        %mul3A_616 = arith.mulf %get3A_612, %get3A_615 : vector<16xf32>
        %get3A_617 = arith.index_cast %add3A_609 : i32 to index
        %get3A_618 = arith.constant 16 : index
        %get3A_619 = tpu.vector_load %arg16[%get3A_617, %get3A_618] {strides = array<i32>} : memref<128x128xf32, #tpu.memory_space<vmem>>, vector<16xf32>,
        %get3A_620 = arith.index_cast %add3A_609 : i32 to index
        %get3A_621 = arith.constant 16 : index
        %get3A_622 = tpu.vector_load %arg18[%get3A_620, %get3A_621] {strides = array<i32>} : memref<128x128xf32, #tpu.memory_space<vmem>>, vector<16xf32>,
        %mul3A_623 = arith.mulf %get3A_619, %get3A_622 : vector<16xf32>
        %add3A_624 = arith.addf %mul3A_616, %mul3A_623 : vector<16xf32>
        %get3A_625 = arith.index_cast %add3A_609 : i32 to index
        %get3A_626 = arith.constant 32 : index
        %get3A_627 = tpu.vector_load %arg16[%get3A_625, %get3A_626] {strides = array<i32>} : memref<128x128xf32, #tpu.memory_space<vmem>>, vector<16xf32>,
        %get3A_628 = arith.index_cast %add3A_609 : i32 to index
        %get3A_629 = arith.constant 32 : index
        %get3A_630 = tpu.vector_load %arg18[%get3A_628, %get3A_629] {strides = array<i32>} : memref<128x128xf32, #tpu.memory_space<vmem>>, vector<16xf32>,
        %mul3A_631 = arith.mulf %get3A_627, %get3A_630 : vector<16xf32>
        %add3A_632 = arith.addf %add3A_624, %mul3A_631 : vector<16xf32>
        %get3A_633 = arith.index_cast %add3A_609 : i32 to index
        %get3A_634 = arith.constant 48 : index
        %get3A_635 = tpu.vector_load %arg16[%get3A_633, %get3A_634] {strides = array<i32>} : memref<128x128xf32, #tpu.memory_space<vmem>>, vector<16xf32>,
        %get3A_636 = arith.index_cast %add3A_609 : i32 to index
        %get3A_637 = arith.constant 48 : index
        %get3A_638 = tpu.vector_load %arg18[%get3A_636, %get3A_637] {strides = array<i32>} : memref<128x128xf32, #tpu.memory_space<vmem>>, vector<16xf32>,
        %mul3A_639 = arith.mulf %get3A_635, %get3A_638 : vector<16xf32>
        %add3A_640 = arith.addf %add3A_632, %mul3A_639 : vector<16xf32>
        %get3A_641 = arith.index_cast %add3A_609 : i32 to index
        %get3A_642 = arith.constant 64 : index
        %get3A_643 = tpu.vector_load %arg16[%get3A_641, %get3A_642] {strides = array<i32>} : memref<128x128xf32, #tpu.memory_space<vmem>>, vector<16xf32>,
        %get3A_644 = arith.index_cast %add3A_609 : i32 to index
        %get3A_645 = arith.constant 64 : index
        %get3A_646 = tpu.vector_load %arg18[%get3A_644, %get3A_645] {strides = array<i32>} : memref<128x128xf32, #tpu.memory_space<vmem>>, vector<16xf32>,
        %mul3A_647 = arith.mulf %get3A_643, %get3A_646 : vector<16xf32>
        %add3A_648 = arith.addf %add3A_640, %mul3A_647 : vector<16xf32>
        %get3A_649 = arith.index_cast %add3A_609 : i32 to index
        %get3A_650 = arith.constant 80 : index
        %get3A_651 = tpu.vector_load %arg16[%get3A_649, %get3A_650] {strides = array<i32>} : memref<128x128xf32, #tpu.memory_space<vmem>>, vector<16xf32>,
        %get3A_652 = arith.index_cast %add3A_609 : i32 to index
        %get3A_653 = arith.constant 80 : index
        %get3A_654 = tpu.vector_load %arg18[%get3A_652, %get3A_653] {strides = array<i32>} : memref<128x128xf32, #tpu.memory_space<vmem>>, vector<16xf32>,
        %mul3A_655 = arith.mulf %get3A_651, %get3A_654 : vector<16xf32>
        %add3A_656 = arith.addf %add3A_648, %mul3A_655 : vector<16xf32>
        %get3A_657 = arith.index_cast %add3A_609 : i32 to index
        %get3A_658 = arith.constant 96 : index
        %get3A_659 = tpu.vector_load %arg16[%get3A_657, %get3A_658] {strides = array<i32>} : memref<128x128xf32, #tpu.memory_space<vmem>>, vector<16xf32>,
        %get3A_660 = arith.index_cast %add3A_609 : i32 to index
        %get3A_661 = arith.constant 96 : index
        %get3A_662 = tpu.vector_load %arg18[%get3A_660, %get3A_661] {strides = array<i32>} : memref<128x128xf32, #tpu.memory_space<vmem>>, vector<16xf32>,
        %mul3A_663 = arith.mulf %get3A_659, %get3A_662 : vector<16xf32>
        %add3A_664 = arith.addf %add3A_656, %mul3A_663 : vector<16xf32>
        %get3A_665 = arith.index_cast %add3A_609 : i32 to index
        %get3A_666 = arith.constant 112 : index
        %get3A_667 = tpu.vector_load %arg16[%get3A_665, %get3A_666] {strides = array<i32>} : memref<128x128xf32, #tpu.memory_space<vmem>>, vector<16xf32>,
        %get3A_668 = arith.index_cast %add3A_609 : i32 to index
        %get3A_669 = arith.constant 112 : index
        %get3A_670 = tpu.vector_load %arg18[%get3A_668, %get3A_669] {strides = array<i32>} : memref<128x128xf32, #tpu.memory_space<vmem>>, vector<16xf32>,
        %mul3A_671 = arith.mulf %get3A_667, %get3A_670 : vector<16xf32>
        %add3A_672 = arith.addf %add3A_664, %mul3A_671 : vector<16xf32>
        %eq3A = vector.broadcast %scan3A_607 : i32 to vector<16xi32>
        %eq3A_673 = arith.cmpi eq, %iota3A_151, %eq3A : vector<16xi32>
        %reduce_sum3A = arith.constant true
        %reduce_sum3A_674 = vector.broadcast %reduce_sum3A : i1 to vector<16xi1>
        %reduce_sum3A_675 = tpu.scan <sum>, %add3A_672 masked %reduce_sum3A_674 : vector<16xf32>, vector<16xi1> -> vector<16xf32>
        %reduce_sum3A_676 = vector.extract %reduce_sum3A_675[15] : f32 from vector<16xf32>
        %broadcast_in_dim3A_677 = vector.broadcast %reduce_sum3A_676 : f32 to vector<16xf32>
        %select_n3A = arith.select %eq3A_673, %broadcast_in_dim3A_677, %scan3A_608 : vector<16xi1>, vector<16xf32>
        %scan3A_678 = arith.constant 1 : i32
        %scan3A_679 = arith.addi %scan3A_607, %scan3A_678 : i32
        %add3A_680 = arith.addi %mul3A_594, %scan3A_679 : i32
        %get3A_681 = arith.index_cast %add3A_680 : i32 to index
        %get3A_682 = arith.constant 0 : index
        %get3A_683 = tpu.vector_load %arg16[%get3A_681, %get3A_682] {strides = array<i32>} : memref<128x128xf32, #tpu.memory_space<vmem>>, vector<16xf32>,
        %get3A_684 = arith.index_cast %add3A_680 : i32 to index
        %get3A_685 = arith.constant 0 : index
        %get3A_686 = tpu.vector_load %arg18[%get3A_684, %get3A_685] {strides = array<i32>} : memref<128x128xf32, #tpu.memory_space<vmem>>, vector<16xf32>,
        %mul3A_687 = arith.mulf %get3A_683, %get3A_686 : vector<16xf32>
        %get3A_688 = arith.index_cast %add3A_680 : i32 to index
        %get3A_689 = arith.constant 16 : index
        %get3A_690 = tpu.vector_load %arg16[%get3A_688, %get3A_689] {strides = array<i32>} : memref<128x128xf32, #tpu.memory_space<vmem>>, vector<16xf32>,
        %get3A_691 = arith.index_cast %add3A_680 : i32 to index
        %get3A_692 = arith.constant 16 : index
        %get3A_693 = tpu.vector_load %arg18[%get3A_691, %get3A_692] {strides = array<i32>} : memref<128x128xf32, #tpu.memory_space<vmem>>, vector<16xf32>,
        %mul3A_694 = arith.mulf %get3A_690, %get3A_693 : vector<16xf32>
        %add3A_695 = arith.addf %mul3A_687, %mul3A_694 : vector<16xf32>
        %get3A_696 = arith.index_cast %add3A_680 : i32 to index
        %get3A_697 = arith.constant 32 : index
        %get3A_698 = tpu.vector_load %arg16[%get3A_696, %get3A_697] {strides = array<i32>} : memref<128x128xf32, #tpu.memory_space<vmem>>, vector<16xf32>,
        %get3A_699 = arith.index_cast %add3A_680 : i32 to index
        %get3A_700 = arith.constant 32 : index
        %get3A_701 = tpu.vector_load %arg18[%get3A_699, %get3A_700] {strides = array<i32>} : memref<128x128xf32, #tpu.memory_space<vmem>>, vector<16xf32>,
        %mul3A_702 = arith.mulf %get3A_698, %get3A_701 : vector<16xf32>
        %add3A_703 = arith.addf %add3A_695, %mul3A_702 : vector<16xf32>
        %get3A_704 = arith.index_cast %add3A_680 : i32 to index
        %get3A_705 = arith.constant 48 : index
        %get3A_706 = tpu.vector_load %arg16[%get3A_704, %get3A_705] {strides = array<i32>} : memref<128x128xf32, #tpu.memory_space<vmem>>, vector<16xf32>,
        %get3A_707 = arith.index_cast %add3A_680 : i32 to index
        %get3A_708 = arith.constant 48 : index
        %get3A_709 = tpu.vector_load %arg18[%get3A_707, %get3A_708] {strides = array<i32>} : memref<128x128xf32, #tpu.memory_space<vmem>>, vector<16xf32>,
        %mul3A_710 = arith.mulf %get3A_706, %get3A_709 : vector<16xf32>
        %add3A_711 = arith.addf %add3A_703, %mul3A_710 : vector<16xf32>
        %get3A_712 = arith.index_cast %add3A_680 : i32 to index
        %get3A_713 = arith.constant 64 : index
        %get3A_714 = tpu.vector_load %arg16[%get3A_712, %get3A_713] {strides = array<i32>} : memref<128x128xf32, #tpu.memory_space<vmem>>, vector<16xf32>,
        %get3A_715 = arith.index_cast %add3A_680 : i32 to index
        %get3A_716 = arith.constant 64 : index
        %get3A_717 = tpu.vector_load %arg18[%get3A_715, %get3A_716] {strides = array<i32>} : memref<128x128xf32, #tpu.memory_space<vmem>>, vector<16xf32>,
        %mul3A_718 = arith.mulf %get3A_714, %get3A_717 : vector<16xf32>
        %add3A_719 = arith.addf %add3A_711, %mul3A_718 : vector<16xf32>
        %get3A_720 = arith.index_cast %add3A_680 : i32 to index
        %get3A_721 = arith.constant 80 : index
        %get3A_722 = tpu.vector_load %arg16[%get3A_720, %get3A_721] {strides = array<i32>} : memref<128x128xf32, #tpu.memory_space<vmem>>, vector<16xf32>,
        %get3A_723 = arith.index_cast %add3A_680 : i32 to index
        %get3A_724 = arith.constant 80 : index
        %get3A_725 = tpu.vector_load %arg18[%get3A_723, %get3A_724] {strides = array<i32>} : memref<128x128xf32, #tpu.memory_space<vmem>>, vector<16xf32>,
        %mul3A_726 = arith.mulf %get3A_722, %get3A_725 : vector<16xf32>
        %add3A_727 = arith.addf %add3A_719, %mul3A_726 : vector<16xf32>
        %get3A_728 = arith.index_cast %add3A_680 : i32 to index
        %get3A_729 = arith.constant 96 : index
        %get3A_730 = tpu.vector_load %arg16[%get3A_728, %get3A_729] {strides = array<i32>} : memref<128x128xf32, #tpu.memory_space<vmem>>, vector<16xf32>,
        %get3A_731 = arith.index_cast %add3A_680 : i32 to index
        %get3A_732 = arith.constant 96 : index
        %get3A_733 = tpu.vector_load %arg18[%get3A_731, %get3A_732] {strides = array<i32>} : memref<128x128xf32, #tpu.memory_space<vmem>>, vector<16xf32>,
        %mul3A_734 = arith.mulf %get3A_730, %get3A_733 : vector<16xf32>
        %add3A_735 = arith.addf %add3A_727, %mul3A_734 : vector<16xf32>
        %get3A_736 = arith.index_cast %add3A_680 : i32 to index
        %get3A_737 = arith.constant 112 : index
        %get3A_738 = tpu.vector_load %arg16[%get3A_736, %get3A_737] {strides = array<i32>} : memref<128x128xf32, #tpu.memory_space<vmem>>, vector<16xf32>,
        %get3A_739 = arith.index_cast %add3A_680 : i32 to index
        %get3A_740 = arith.constant 112 : index
        %get3A_741 = tpu.vector_load %arg18[%get3A_739, %get3A_740] {strides = array<i32>} : memref<128x128xf32, #tpu.memory_space<vmem>>, vector<16xf32>,
        %mul3A_742 = arith.mulf %get3A_738, %get3A_741 : vector<16xf32>
        %add3A_743 = arith.addf %add3A_735, %mul3A_742 : vector<16xf32>
        %eq3A_744 = vector.broadcast %scan3A_679 : i32 to vector<16xi32>
        %eq3A_745 = arith.cmpi eq, %iota3A_151, %eq3A_744 : vector<16xi32>
        %reduce_sum3A_746 = arith.constant true
        %reduce_sum3A_747 = vector.broadcast %reduce_sum3A_746 : i1 to vector<16xi1>
        %reduce_sum3A_748 = tpu.scan <sum>, %add3A_743 masked %reduce_sum3A_747 : vector<16xf32>, vector<16xi1> -> vector<16xf32>
        %reduce_sum3A_749 = vector.extract %reduce_sum3A_748[15] : f32 from vector<16xf32>
        %broadcast_in_dim3A_750 = vector.broadcast %reduce_sum3A_749 : f32 to vector<16xf32>
        %select_n3A_751 = arith.select %eq3A_745, %broadcast_in_dim3A_750, %select_n3A : vector<16xi1>, vector<16xf32>
        scf.yield %select_n3A_751 : vector<16xf32>
      }
      %scan3A_601 = arith.constant 16 : i32
      %add3A_602 = arith.constant 384 : i32
      %add3A_603 = arith.addi %add3A_602, %mul3A_594 : i32
      %swap3A_604 = arith.index_cast %add3A_603 : i32 to index
      %swap3A_605 = tpu.vector_load %arg19[%swap3A_604] {strides = array<i32>} : memref<512xf32, #tpu.memory_space<vmem>>, vector<16xf32>,
      tpu.vector_store %arg19[%swap3A_604], %scan3A_600 {strides = array<i32>} : memref<512xf32, #tpu.memory_space<vmem>>, vector<16xf32>,
      %scan3A_606 = arith.constant 0 : i32
      scf.yield %scan3A_606 : i32
    }
    %scan3A_158 = arith.constant 8 : i32
    %dma_wait3A_159 = arith.constant 0 : i32
    %dma_wait3A_160 = tpu.memref_slice %arg12[%dma_wait3A_159] : memref<512xf32, #tpu.memory_space<vmem>> -> memref<128xf32, #tpu.memory_space<vmem>>
    %dma_wait3A_161 = arith.constant 0 : i32
    %dma_wait3A_162 = tpu.memref_slice %arg10[%dma_wait3A_161] : memref<512xi32, #tpu.memory_space<vmem>> -> memref<128xi32, #tpu.memory_space<vmem>>
    %dma_wait3A_163 = arith.constant 0 : i32
    %dma_wait3A_164 = tpu.memref_slice %arg6[%dma_wait3A_163] : memref<1000000xf32, #tpu.memory_space<hbm>> -> memref<1000000xf32, #tpu.memory_space<hbm>>
    tpu.wait_indirect_dma semaphore(%arg22 : memref<!tpu.dma_semaphore, #tpu.memory_space<semaphore_mem>>) src(%dma_wait3A_164 : memref<1000000xf32, #tpu.memory_space<hbm>>) dst(%dma_wait3A_160 : memref<128xf32, #tpu.memory_space<vmem>>)
    %dma_wait3A_165 = arith.constant 0 : i32
    %dma_wait3A_166 = tpu.memref_slice %arg13[%dma_wait3A_165] : memref<512xf32, #tpu.memory_space<vmem>> -> memref<128xf32, #tpu.memory_space<vmem>>
    %dma_wait3A_167 = arith.constant 0 : i32
    %dma_wait3A_168 = tpu.memref_slice %arg11[%dma_wait3A_167] : memref<512xi32, #tpu.memory_space<vmem>> -> memref<128xi32, #tpu.memory_space<vmem>>
    %dma_wait3A_169 = arith.constant 0 : i32
    %dma_wait3A_170 = tpu.memref_slice %arg7[%dma_wait3A_169] : memref<100000xf32, #tpu.memory_space<hbm>> -> memref<100000xf32, #tpu.memory_space<hbm>>
    tpu.wait_indirect_dma semaphore(%arg22 : memref<!tpu.dma_semaphore, #tpu.memory_space<semaphore_mem>>) src(%dma_wait3A_170 : memref<100000xf32, #tpu.memory_space<hbm>>) dst(%dma_wait3A_166 : memref<128xf32, #tpu.memory_space<vmem>>)
    %dma_wait3A_171 = arith.constant 128 : i32
    %dma_wait3A_172 = tpu.memref_slice %arg12[%dma_wait3A_171] : memref<512xf32, #tpu.memory_space<vmem>> -> memref<128xf32, #tpu.memory_space<vmem>>
    %dma_wait3A_173 = arith.constant 128 : i32
    %dma_wait3A_174 = tpu.memref_slice %arg10[%dma_wait3A_173] : memref<512xi32, #tpu.memory_space<vmem>> -> memref<128xi32, #tpu.memory_space<vmem>>
    %dma_wait3A_175 = arith.constant 0 : i32
    %dma_wait3A_176 = tpu.memref_slice %arg6[%dma_wait3A_175] : memref<1000000xf32, #tpu.memory_space<hbm>> -> memref<1000000xf32, #tpu.memory_space<hbm>>
    tpu.wait_indirect_dma semaphore(%arg22 : memref<!tpu.dma_semaphore, #tpu.memory_space<semaphore_mem>>) src(%dma_wait3A_176 : memref<1000000xf32, #tpu.memory_space<hbm>>) dst(%dma_wait3A_172 : memref<128xf32, #tpu.memory_space<vmem>>)
    %dma_wait3A_177 = arith.constant 128 : i32
    %dma_wait3A_178 = tpu.memref_slice %arg13[%dma_wait3A_177] : memref<512xf32, #tpu.memory_space<vmem>> -> memref<128xf32, #tpu.memory_space<vmem>>
    %dma_wait3A_179 = arith.constant 128 : i32
    %dma_wait3A_180 = tpu.memref_slice %arg11[%dma_wait3A_179] : memref<512xi32, #tpu.memory_space<vmem>> -> memref<128xi32, #tpu.memory_space<vmem>>
    %dma_wait3A_181 = arith.constant 0 : i32
    %dma_wait3A_182 = tpu.memref_slice %arg7[%dma_wait3A_181] : memref<100000xf32, #tpu.memory_space<hbm>> -> memref<100000xf32, #tpu.memory_space<hbm>>
    tpu.wait_indirect_dma semaphore(%arg22 : memref<!tpu.dma_semaphore, #tpu.memory_space<semaphore_mem>>) src(%dma_wait3A_182 : memref<100000xf32, #tpu.memory_space<hbm>>) dst(%dma_wait3A_178 : memref<128xf32, #tpu.memory_space<vmem>>)
    %dma_wait3A_183 = arith.constant 256 : i32
    %dma_wait3A_184 = tpu.memref_slice %arg12[%dma_wait3A_183] : memref<512xf32, #tpu.memory_space<vmem>> -> memref<128xf32, #tpu.memory_space<vmem>>
    %dma_wait3A_185 = arith.constant 256 : i32
    %dma_wait3A_186 = tpu.memref_slice %arg10[%dma_wait3A_185] : memref<512xi32, #tpu.memory_space<vmem>> -> memref<128xi32, #tpu.memory_space<vmem>>
    %dma_wait3A_187 = arith.constant 0 : i32
    %dma_wait3A_188 = tpu.memref_slice %arg6[%dma_wait3A_187] : memref<1000000xf32, #tpu.memory_space<hbm>> -> memref<1000000xf32, #tpu.memory_space<hbm>>
    tpu.wait_indirect_dma semaphore(%arg22 : memref<!tpu.dma_semaphore, #tpu.memory_space<semaphore_mem>>) src(%dma_wait3A_188 : memref<1000000xf32, #tpu.memory_space<hbm>>) dst(%dma_wait3A_184 : memref<128xf32, #tpu.memory_space<vmem>>)
    %dma_wait3A_189 = arith.constant 256 : i32
    %dma_wait3A_190 = tpu.memref_slice %arg13[%dma_wait3A_189] : memref<512xf32, #tpu.memory_space<vmem>> -> memref<128xf32, #tpu.memory_space<vmem>>
    %dma_wait3A_191 = arith.constant 256 : i32
    %dma_wait3A_192 = tpu.memref_slice %arg11[%dma_wait3A_191] : memref<512xi32, #tpu.memory_space<vmem>> -> memref<128xi32, #tpu.memory_space<vmem>>
    %dma_wait3A_193 = arith.constant 0 : i32
    %dma_wait3A_194 = tpu.memref_slice %arg7[%dma_wait3A_193] : memref<100000xf32, #tpu.memory_space<hbm>> -> memref<100000xf32, #tpu.memory_space<hbm>>
    tpu.wait_indirect_dma semaphore(%arg22 : memref<!tpu.dma_semaphore, #tpu.memory_space<semaphore_mem>>) src(%dma_wait3A_194 : memref<100000xf32, #tpu.memory_space<hbm>>) dst(%dma_wait3A_190 : memref<128xf32, #tpu.memory_space<vmem>>)
    %dma_wait3A_195 = arith.constant 384 : i32
    %dma_wait3A_196 = tpu.memref_slice %arg12[%dma_wait3A_195] : memref<512xf32, #tpu.memory_space<vmem>> -> memref<128xf32, #tpu.memory_space<vmem>>
    %dma_wait3A_197 = arith.constant 384 : i32
    %dma_wait3A_198 = tpu.memref_slice %arg10[%dma_wait3A_197] : memref<512xi32, #tpu.memory_space<vmem>> -> memref<128xi32, #tpu.memory_space<vmem>>
    %dma_wait3A_199 = arith.constant 0 : i32
    %dma_wait3A_200 = tpu.memref_slice %arg6[%dma_wait3A_199] : memref<1000000xf32, #tpu.memory_space<hbm>> -> memref<1000000xf32, #tpu.memory_space<hbm>>
    tpu.wait_indirect_dma semaphore(%arg22 : memref<!tpu.dma_semaphore, #tpu.memory_space<semaphore_mem>>) src(%dma_wait3A_200 : memref<1000000xf32, #tpu.memory_space<hbm>>) dst(%dma_wait3A_196 : memref<128xf32, #tpu.memory_space<vmem>>)
    %dma_wait3A_201 = arith.constant 384 : i32
    %dma_wait3A_202 = tpu.memref_slice %arg13[%dma_wait3A_201] : memref<512xf32, #tpu.memory_space<vmem>> -> memref<128xf32, #tpu.memory_space<vmem>>
    %dma_wait3A_203 = arith.constant 384 : i32
    %dma_wait3A_204 = tpu.memref_slice %arg11[%dma_wait3A_203] : memref<512xi32, #tpu.memory_space<vmem>> -> memref<128xi32, #tpu.memory_space<vmem>>
    %dma_wait3A_205 = arith.constant 0 : i32
    %dma_wait3A_206 = tpu.memref_slice %arg7[%dma_wait3A_205] : memref<100000xf32, #tpu.memory_space<hbm>> -> memref<100000xf32, #tpu.memory_space<hbm>>
    tpu.wait_indirect_dma semaphore(%arg22 : memref<!tpu.dma_semaphore, #tpu.memory_space<semaphore_mem>>) src(%dma_wait3A_206 : memref<100000xf32, #tpu.memory_space<hbm>>) dst(%dma_wait3A_202 : memref<128xf32, #tpu.memory_space<vmem>>)
    %get3A = arith.constant 0 : index
    %get3A_207 = tpu.vector_load %arg14[%get3A] {strides = array<i32>} : memref<16xf32, #tpu.memory_space<vmem>>, vector<16xf32>,
    %slice3A = vector.extract_strided_slice %get3A_207 {offsets = [0], sizes = [1], strides = [1]} : vector<16xf32> to vector<1xf32>
    %squeeze3A = vector.extract %slice3A[0] : f32 from vector<1xf32>
    %get3A_208 = arith.constant 0 : index
    %get3A_209 = tpu.vector_load %arg19[%get3A_208] {strides = array<i32>} : memref<512xf32, #tpu.memory_space<vmem>>, vector<16xf32>,
    %get3A_210 = arith.constant 0 : index
    %get3A_211 = tpu.vector_load %arg12[%get3A_210] {strides = array<i32>} : memref<512xf32, #tpu.memory_space<vmem>>, vector<16xf32>,
    %add3A_212 = arith.addf %get3A_209, %get3A_211 : vector<16xf32>
    %get3A_213 = arith.constant 0 : index
    %get3A_214 = tpu.vector_load %arg13[%get3A_213] {strides = array<i32>} : memref<512xf32, #tpu.memory_space<vmem>>, vector<16xf32>,
    %add3A_215 = arith.addf %add3A_212, %get3A_214 : vector<16xf32>
    %add3A_216 = vector.broadcast %squeeze3A : f32 to vector<16xf32>
    %add3A_217 = arith.addf %add3A_215, %add3A_216 : vector<16xf32>
    %swap3A = arith.constant 0 : index
    %swap3A_218 = tpu.vector_load %arg19[%swap3A] {strides = array<i32>} : memref<512xf32, #tpu.memory_space<vmem>>, vector<16xf32>,
    tpu.vector_store %arg19[%swap3A], %add3A_217 {strides = array<i32>} : memref<512xf32, #tpu.memory_space<vmem>>, vector<16xf32>,
    %get3A_219 = arith.constant 16 : index
    %get3A_220 = tpu.vector_load %arg19[%get3A_219] {strides = array<i32>} : memref<512xf32, #tpu.memory_space<vmem>>, vector<16xf32>,
    %get3A_221 = arith.constant 16 : index
    %get3A_222 = tpu.vector_load %arg12[%get3A_221] {strides = array<i32>} : memref<512xf32, #tpu.memory_space<vmem>>, vector<16xf32>,
    %add3A_223 = arith.addf %get3A_220, %get3A_222 : vector<16xf32>
    %get3A_224 = arith.constant 16 : index
    %get3A_225 = tpu.vector_load %arg13[%get3A_224] {strides = array<i32>} : memref<512xf32, #tpu.memory_space<vmem>>, vector<16xf32>,
    %add3A_226 = arith.addf %add3A_223, %get3A_225 : vector<16xf32>
    %add3A_227 = vector.broadcast %squeeze3A : f32 to vector<16xf32>
    %add3A_228 = arith.addf %add3A_226, %add3A_227 : vector<16xf32>
    %swap3A_229 = arith.constant 16 : index
    %swap3A_230 = tpu.vector_load %arg19[%swap3A_229] {strides = array<i32>} : memref<512xf32, #tpu.memory_space<vmem>>, vector<16xf32>,
    tpu.vector_store %arg19[%swap3A_229], %add3A_228 {strides = array<i32>} : memref<512xf32, #tpu.memory_space<vmem>>, vector<16xf32>,
    %get3A_231 = arith.constant 32 : index
    %get3A_232 = tpu.vector_load %arg19[%get3A_231] {strides = array<i32>} : memref<512xf32, #tpu.memory_space<vmem>>, vector<16xf32>,
    %get3A_233 = arith.constant 32 : index
    %get3A_234 = tpu.vector_load %arg12[%get3A_233] {strides = array<i32>} : memref<512xf32, #tpu.memory_space<vmem>>, vector<16xf32>,
    %add3A_235 = arith.addf %get3A_232, %get3A_234 : vector<16xf32>
    %get3A_236 = arith.constant 32 : index
    %get3A_237 = tpu.vector_load %arg13[%get3A_236] {strides = array<i32>} : memref<512xf32, #tpu.memory_space<vmem>>, vector<16xf32>,
    %add3A_238 = arith.addf %add3A_235, %get3A_237 : vector<16xf32>
    %add3A_239 = vector.broadcast %squeeze3A : f32 to vector<16xf32>
    %add3A_240 = arith.addf %add3A_238, %add3A_239 : vector<16xf32>
    %swap3A_241 = arith.constant 32 : index
    %swap3A_242 = tpu.vector_load %arg19[%swap3A_241] {strides = array<i32>} : memref<512xf32, #tpu.memory_space<vmem>>, vector<16xf32>,
    tpu.vector_store %arg19[%swap3A_241], %add3A_240 {strides = array<i32>} : memref<512xf32, #tpu.memory_space<vmem>>, vector<16xf32>,
    %get3A_243 = arith.constant 48 : index
    %get3A_244 = tpu.vector_load %arg19[%get3A_243] {strides = array<i32>} : memref<512xf32, #tpu.memory_space<vmem>>, vector<16xf32>,
    %get3A_245 = arith.constant 48 : index
    %get3A_246 = tpu.vector_load %arg12[%get3A_245] {strides = array<i32>} : memref<512xf32, #tpu.memory_space<vmem>>, vector<16xf32>,
    %add3A_247 = arith.addf %get3A_244, %get3A_246 : vector<16xf32>
    %get3A_248 = arith.constant 48 : index
    %get3A_249 = tpu.vector_load %arg13[%get3A_248] {strides = array<i32>} : memref<512xf32, #tpu.memory_space<vmem>>, vector<16xf32>,
    %add3A_250 = arith.addf %add3A_247, %get3A_249 : vector<16xf32>
    %add3A_251 = vector.broadcast %squeeze3A : f32 to vector<16xf32>
    %add3A_252 = arith.addf %add3A_250, %add3A_251 : vector<16xf32>
    %swap3A_253 = arith.constant 48 : index
    %swap3A_254 = tpu.vector_load %arg19[%swap3A_253] {strides = array<i32>} : memref<512xf32, #tpu.memory_space<vmem>>, vector<16xf32>,
    tpu.vector_store %arg19[%swap3A_253], %add3A_252 {strides = array<i32>} : memref<512xf32, #tpu.memory_space<vmem>>, vector<16xf32>,
    %get3A_255 = arith.constant 64 : index
    %get3A_256 = tpu.vector_load %arg19[%get3A_255] {strides = array<i32>} : memref<512xf32, #tpu.memory_space<vmem>>, vector<16xf32>,
    %get3A_257 = arith.constant 64 : index
    %get3A_258 = tpu.vector_load %arg12[%get3A_257] {strides = array<i32>} : memref<512xf32, #tpu.memory_space<vmem>>, vector<16xf32>,
    %add3A_259 = arith.addf %get3A_256, %get3A_258 : vector<16xf32>
    %get3A_260 = arith.constant 64 : index
    %get3A_261 = tpu.vector_load %arg13[%get3A_260] {strides = array<i32>} : memref<512xf32, #tpu.memory_space<vmem>>, vector<16xf32>,
    %add3A_262 = arith.addf %add3A_259, %get3A_261 : vector<16xf32>
    %add3A_263 = vector.broadcast %squeeze3A : f32 to vector<16xf32>
    %add3A_264 = arith.addf %add3A_262, %add3A_263 : vector<16xf32>
    %swap3A_265 = arith.constant 64 : index
    %swap3A_266 = tpu.vector_load %arg19[%swap3A_265] {strides = array<i32>} : memref<512xf32, #tpu.memory_space<vmem>>, vector<16xf32>,
    tpu.vector_store %arg19[%swap3A_265], %add3A_264 {strides = array<i32>} : memref<512xf32, #tpu.memory_space<vmem>>, vector<16xf32>,
    %get3A_267 = arith.constant 80 : index
    %get3A_268 = tpu.vector_load %arg19[%get3A_267] {strides = array<i32>} : memref<512xf32, #tpu.memory_space<vmem>>, vector<16xf32>,
    %get3A_269 = arith.constant 80 : index
    %get3A_270 = tpu.vector_load %arg12[%get3A_269] {strides = array<i32>} : memref<512xf32, #tpu.memory_space<vmem>>, vector<16xf32>,
    %add3A_271 = arith.addf %get3A_268, %get3A_270 : vector<16xf32>
    %get3A_272 = arith.constant 80 : index
    %get3A_273 = tpu.vector_load %arg13[%get3A_272] {strides = array<i32>} : memref<512xf32, #tpu.memory_space<vmem>>, vector<16xf32>,
    %add3A_274 = arith.addf %add3A_271, %get3A_273 : vector<16xf32>
    %add3A_275 = vector.broadcast %squeeze3A : f32 to vector<16xf32>
    %add3A_276 = arith.addf %add3A_274, %add3A_275 : vector<16xf32>
    %swap3A_277 = arith.constant 80 : index
    %swap3A_278 = tpu.vector_load %arg19[%swap3A_277] {strides = array<i32>} : memref<512xf32, #tpu.memory_space<vmem>>, vector<16xf32>,
    tpu.vector_store %arg19[%swap3A_277], %add3A_276 {strides = array<i32>} : memref<512xf32, #tpu.memory_space<vmem>>, vector<16xf32>,
    %get3A_279 = arith.constant 96 : index
    %get3A_280 = tpu.vector_load %arg19[%get3A_279] {strides = array<i32>} : memref<512xf32, #tpu.memory_space<vmem>>, vector<16xf32>,
    %get3A_281 = arith.constant 96 : index
    %get3A_282 = tpu.vector_load %arg12[%get3A_281] {strides = array<i32>} : memref<512xf32, #tpu.memory_space<vmem>>, vector<16xf32>,
    %add3A_283 = arith.addf %get3A_280, %get3A_282 : vector<16xf32>
    %get3A_284 = arith.constant 96 : index
    %get3A_285 = tpu.vector_load %arg13[%get3A_284] {strides = array<i32>} : memref<512xf32, #tpu.memory_space<vmem>>, vector<16xf32>,
    %add3A_286 = arith.addf %add3A_283, %get3A_285 : vector<16xf32>
    %add3A_287 = vector.broadcast %squeeze3A : f32 to vector<16xf32>
    %add3A_288 = arith.addf %add3A_286, %add3A_287 : vector<16xf32>
    %swap3A_289 = arith.constant 96 : index
    %swap3A_290 = tpu.vector_load %arg19[%swap3A_289] {strides = array<i32>} : memref<512xf32, #tpu.memory_space<vmem>>, vector<16xf32>,
    tpu.vector_store %arg19[%swap3A_289], %add3A_288 {strides = array<i32>} : memref<512xf32, #tpu.memory_space<vmem>>, vector<16xf32>,
    %get3A_291 = arith.constant 112 : index
    %get3A_292 = tpu.vector_load %arg19[%get3A_291] {strides = array<i32>} : memref<512xf32, #tpu.memory_space<vmem>>, vector<16xf32>,
    %get3A_293 = arith.constant 112 : index
    %get3A_294 = tpu.vector_load %arg12[%get3A_293] {strides = array<i32>} : memref<512xf32, #tpu.memory_space<vmem>>, vector<16xf32>,
    %add3A_295 = arith.addf %get3A_292, %get3A_294 : vector<16xf32>
    %get3A_296 = arith.constant 112 : index
    %get3A_297 = tpu.vector_load %arg13[%get3A_296] {strides = array<i32>} : memref<512xf32, #tpu.memory_space<vmem>>, vector<16xf32>,
    %add3A_298 = arith.addf %add3A_295, %get3A_297 : vector<16xf32>
    %add3A_299 = vector.broadcast %squeeze3A : f32 to vector<16xf32>
    %add3A_300 = arith.addf %add3A_298, %add3A_299 : vector<16xf32>
    %swap3A_301 = arith.constant 112 : index
    %swap3A_302 = tpu.vector_load %arg19[%swap3A_301] {strides = array<i32>} : memref<512xf32, #tpu.memory_space<vmem>>, vector<16xf32>,
    tpu.vector_store %arg19[%swap3A_301], %add3A_300 {strides = array<i32>} : memref<512xf32, #tpu.memory_space<vmem>>, vector<16xf32>,
    %get3A_303 = arith.constant 128 : index
    %get3A_304 = tpu.vector_load %arg19[%get3A_303] {strides = array<i32>} : memref<512xf32, #tpu.memory_space<vmem>>, vector<16xf32>,
    %get3A_305 = arith.constant 128 : index
    %get3A_306 = tpu.vector_load %arg12[%get3A_305] {strides = array<i32>} : memref<512xf32, #tpu.memory_space<vmem>>, vector<16xf32>,
    %add3A_307 = arith.addf %get3A_304, %get3A_306 : vector<16xf32>
    %get3A_308 = arith.constant 128 : index
    %get3A_309 = tpu.vector_load %arg13[%get3A_308] {strides = array<i32>} : memref<512xf32, #tpu.memory_space<vmem>>, vector<16xf32>,
    %add3A_310 = arith.addf %add3A_307, %get3A_309 : vector<16xf32>
    %add3A_311 = vector.broadcast %squeeze3A : f32 to vector<16xf32>
    %add3A_312 = arith.addf %add3A_310, %add3A_311 : vector<16xf32>
    %swap3A_313 = arith.constant 128 : index
    %swap3A_314 = tpu.vector_load %arg19[%swap3A_313] {strides = array<i32>} : memref<512xf32, #tpu.memory_space<vmem>>, vector<16xf32>,
    tpu.vector_store %arg19[%swap3A_313], %add3A_312 {strides = array<i32>} : memref<512xf32, #tpu.memory_space<vmem>>, vector<16xf32>,
    %get3A_315 = arith.constant 144 : index
    %get3A_316 = tpu.vector_load %arg19[%get3A_315] {strides = array<i32>} : memref<512xf32, #tpu.memory_space<vmem>>, vector<16xf32>,
    %get3A_317 = arith.constant 144 : index
    %get3A_318 = tpu.vector_load %arg12[%get3A_317] {strides = array<i32>} : memref<512xf32, #tpu.memory_space<vmem>>, vector<16xf32>,
    %add3A_319 = arith.addf %get3A_316, %get3A_318 : vector<16xf32>
    %get3A_320 = arith.constant 144 : index
    %get3A_321 = tpu.vector_load %arg13[%get3A_320] {strides = array<i32>} : memref<512xf32, #tpu.memory_space<vmem>>, vector<16xf32>,
    %add3A_322 = arith.addf %add3A_319, %get3A_321 : vector<16xf32>
    %add3A_323 = vector.broadcast %squeeze3A : f32 to vector<16xf32>
    %add3A_324 = arith.addf %add3A_322, %add3A_323 : vector<16xf32>
    %swap3A_325 = arith.constant 144 : index
    %swap3A_326 = tpu.vector_load %arg19[%swap3A_325] {strides = array<i32>} : memref<512xf32, #tpu.memory_space<vmem>>, vector<16xf32>,
    tpu.vector_store %arg19[%swap3A_325], %add3A_324 {strides = array<i32>} : memref<512xf32, #tpu.memory_space<vmem>>, vector<16xf32>,
    %get3A_327 = arith.constant 160 : index
    %get3A_328 = tpu.vector_load %arg19[%get3A_327] {strides = array<i32>} : memref<512xf32, #tpu.memory_space<vmem>>, vector<16xf32>,
    %get3A_329 = arith.constant 160 : index
    %get3A_330 = tpu.vector_load %arg12[%get3A_329] {strides = array<i32>} : memref<512xf32, #tpu.memory_space<vmem>>, vector<16xf32>,
    %add3A_331 = arith.addf %get3A_328, %get3A_330 : vector<16xf32>
    %get3A_332 = arith.constant 160 : index
    %get3A_333 = tpu.vector_load %arg13[%get3A_332] {strides = array<i32>} : memref<512xf32, #tpu.memory_space<vmem>>, vector<16xf32>,
    %add3A_334 = arith.addf %add3A_331, %get3A_333 : vector<16xf32>
    %add3A_335 = vector.broadcast %squeeze3A : f32 to vector<16xf32>
    %add3A_336 = arith.addf %add3A_334, %add3A_335 : vector<16xf32>
    %swap3A_337 = arith.constant 160 : index
    %swap3A_338 = tpu.vector_load %arg19[%swap3A_337] {strides = array<i32>} : memref<512xf32, #tpu.memory_space<vmem>>, vector<16xf32>,
    tpu.vector_store %arg19[%swap3A_337], %add3A_336 {strides = array<i32>} : memref<512xf32, #tpu.memory_space<vmem>>, vector<16xf32>,
    %get3A_339 = arith.constant 176 : index
    %get3A_340 = tpu.vector_load %arg19[%get3A_339] {strides = array<i32>} : memref<512xf32, #tpu.memory_space<vmem>>, vector<16xf32>,
    %get3A_341 = arith.constant 176 : index
    %get3A_342 = tpu.vector_load %arg12[%get3A_341] {strides = array<i32>} : memref<512xf32, #tpu.memory_space<vmem>>, vector<16xf32>,
    %add3A_343 = arith.addf %get3A_340, %get3A_342 : vector<16xf32>
    %get3A_344 = arith.constant 176 : index
    %get3A_345 = tpu.vector_load %arg13[%get3A_344] {strides = array<i32>} : memref<512xf32, #tpu.memory_space<vmem>>, vector<16xf32>,
    %add3A_346 = arith.addf %add3A_343, %get3A_345 : vector<16xf32>
    %add3A_347 = vector.broadcast %squeeze3A : f32 to vector<16xf32>
    %add3A_348 = arith.addf %add3A_346, %add3A_347 : vector<16xf32>
    %swap3A_349 = arith.constant 176 : index
    %swap3A_350 = tpu.vector_load %arg19[%swap3A_349] {strides = array<i32>} : memref<512xf32, #tpu.memory_space<vmem>>, vector<16xf32>,
    tpu.vector_store %arg19[%swap3A_349], %add3A_348 {strides = array<i32>} : memref<512xf32, #tpu.memory_space<vmem>>, vector<16xf32>,
    %get3A_351 = arith.constant 192 : index
    %get3A_352 = tpu.vector_load %arg19[%get3A_351] {strides = array<i32>} : memref<512xf32, #tpu.memory_space<vmem>>, vector<16xf32>,
    %get3A_353 = arith.constant 192 : index
    %get3A_354 = tpu.vector_load %arg12[%get3A_353] {strides = array<i32>} : memref<512xf32, #tpu.memory_space<vmem>>, vector<16xf32>,
    %add3A_355 = arith.addf %get3A_352, %get3A_354 : vector<16xf32>
    %get3A_356 = arith.constant 192 : index
    %get3A_357 = tpu.vector_load %arg13[%get3A_356] {strides = array<i32>} : memref<512xf32, #tpu.memory_space<vmem>>, vector<16xf32>,
    %add3A_358 = arith.addf %add3A_355, %get3A_357 : vector<16xf32>
    %add3A_359 = vector.broadcast %squeeze3A : f32 to vector<16xf32>
    %add3A_360 = arith.addf %add3A_358, %add3A_359 : vector<16xf32>
    %swap3A_361 = arith.constant 192 : index
    %swap3A_362 = tpu.vector_load %arg19[%swap3A_361] {strides = array<i32>} : memref<512xf32, #tpu.memory_space<vmem>>, vector<16xf32>,
    tpu.vector_store %arg19[%swap3A_361], %add3A_360 {strides = array<i32>} : memref<512xf32, #tpu.memory_space<vmem>>, vector<16xf32>,
    %get3A_363 = arith.constant 208 : index
    %get3A_364 = tpu.vector_load %arg19[%get3A_363] {strides = array<i32>} : memref<512xf32, #tpu.memory_space<vmem>>, vector<16xf32>,
    %get3A_365 = arith.constant 208 : index
    %get3A_366 = tpu.vector_load %arg12[%get3A_365] {strides = array<i32>} : memref<512xf32, #tpu.memory_space<vmem>>, vector<16xf32>,
    %add3A_367 = arith.addf %get3A_364, %get3A_366 : vector<16xf32>
    %get3A_368 = arith.constant 208 : index
    %get3A_369 = tpu.vector_load %arg13[%get3A_368] {strides = array<i32>} : memref<512xf32, #tpu.memory_space<vmem>>, vector<16xf32>,
    %add3A_370 = arith.addf %add3A_367, %get3A_369 : vector<16xf32>
    %add3A_371 = vector.broadcast %squeeze3A : f32 to vector<16xf32>
    %add3A_372 = arith.addf %add3A_370, %add3A_371 : vector<16xf32>
    %swap3A_373 = arith.constant 208 : index
    %swap3A_374 = tpu.vector_load %arg19[%swap3A_373] {strides = array<i32>} : memref<512xf32, #tpu.memory_space<vmem>>, vector<16xf32>,
    tpu.vector_store %arg19[%swap3A_373], %add3A_372 {strides = array<i32>} : memref<512xf32, #tpu.memory_space<vmem>>, vector<16xf32>,
    %get3A_375 = arith.constant 224 : index
    %get3A_376 = tpu.vector_load %arg19[%get3A_375] {strides = array<i32>} : memref<512xf32, #tpu.memory_space<vmem>>, vector<16xf32>,
    %get3A_377 = arith.constant 224 : index
    %get3A_378 = tpu.vector_load %arg12[%get3A_377] {strides = array<i32>} : memref<512xf32, #tpu.memory_space<vmem>>, vector<16xf32>,
    %add3A_379 = arith.addf %get3A_376, %get3A_378 : vector<16xf32>
    %get3A_380 = arith.constant 224 : index
    %get3A_381 = tpu.vector_load %arg13[%get3A_380] {strides = array<i32>} : memref<512xf32, #tpu.memory_space<vmem>>, vector<16xf32>,
    %add3A_382 = arith.addf %add3A_379, %get3A_381 : vector<16xf32>
    %add3A_383 = vector.broadcast %squeeze3A : f32 to vector<16xf32>
    %add3A_384 = arith.addf %add3A_382, %add3A_383 : vector<16xf32>
    %swap3A_385 = arith.constant 224 : index
    %swap3A_386 = tpu.vector_load %arg19[%swap3A_385] {strides = array<i32>} : memref<512xf32, #tpu.memory_space<vmem>>, vector<16xf32>,
    tpu.vector_store %arg19[%swap3A_385], %add3A_384 {strides = array<i32>} : memref<512xf32, #tpu.memory_space<vmem>>, vector<16xf32>,
    %get3A_387 = arith.constant 240 : index
    %get3A_388 = tpu.vector_load %arg19[%get3A_387] {strides = array<i32>} : memref<512xf32, #tpu.memory_space<vmem>>, vector<16xf32>,
    %get3A_389 = arith.constant 240 : index
    %get3A_390 = tpu.vector_load %arg12[%get3A_389] {strides = array<i32>} : memref<512xf32, #tpu.memory_space<vmem>>, vector<16xf32>,
    %add3A_391 = arith.addf %get3A_388, %get3A_390 : vector<16xf32>
    %get3A_392 = arith.constant 240 : index
    %get3A_393 = tpu.vector_load %arg13[%get3A_392] {strides = array<i32>} : memref<512xf32, #tpu.memory_space<vmem>>, vector<16xf32>,
    %add3A_394 = arith.addf %add3A_391, %get3A_393 : vector<16xf32>
    %add3A_395 = vector.broadcast %squeeze3A : f32 to vector<16xf32>
    %add3A_396 = arith.addf %add3A_394, %add3A_395 : vector<16xf32>
    %swap3A_397 = arith.constant 240 : index
    %swap3A_398 = tpu.vector_load %arg19[%swap3A_397] {strides = array<i32>} : memref<512xf32, #tpu.memory_space<vmem>>, vector<16xf32>,
    tpu.vector_store %arg19[%swap3A_397], %add3A_396 {strides = array<i32>} : memref<512xf32, #tpu.memory_space<vmem>>, vector<16xf32>,
    %get3A_399 = arith.constant 256 : index
    %get3A_400 = tpu.vector_load %arg19[%get3A_399] {strides = array<i32>} : memref<512xf32, #tpu.memory_space<vmem>>, vector<16xf32>,
    %get3A_401 = arith.constant 256 : index
    %get3A_402 = tpu.vector_load %arg12[%get3A_401] {strides = array<i32>} : memref<512xf32, #tpu.memory_space<vmem>>, vector<16xf32>,
    %add3A_403 = arith.addf %get3A_400, %get3A_402 : vector<16xf32>
    %get3A_404 = arith.constant 256 : index
    %get3A_405 = tpu.vector_load %arg13[%get3A_404] {strides = array<i32>} : memref<512xf32, #tpu.memory_space<vmem>>, vector<16xf32>,
    %add3A_406 = arith.addf %add3A_403, %get3A_405 : vector<16xf32>
    %add3A_407 = vector.broadcast %squeeze3A : f32 to vector<16xf32>
    %add3A_408 = arith.addf %add3A_406, %add3A_407 : vector<16xf32>
    %swap3A_409 = arith.constant 256 : index
    %swap3A_410 = tpu.vector_load %arg19[%swap3A_409] {strides = array<i32>} : memref<512xf32, #tpu.memory_space<vmem>>, vector<16xf32>,
    tpu.vector_store %arg19[%swap3A_409], %add3A_408 {strides = array<i32>} : memref<512xf32, #tpu.memory_space<vmem>>, vector<16xf32>,
    %get3A_411 = arith.constant 272 : index
    %get3A_412 = tpu.vector_load %arg19[%get3A_411] {strides = array<i32>} : memref<512xf32, #tpu.memory_space<vmem>>, vector<16xf32>,
    %get3A_413 = arith.constant 272 : index
    %get3A_414 = tpu.vector_load %arg12[%get3A_413] {strides = array<i32>} : memref<512xf32, #tpu.memory_space<vmem>>, vector<16xf32>,
    %add3A_415 = arith.addf %get3A_412, %get3A_414 : vector<16xf32>
    %get3A_416 = arith.constant 272 : index
    %get3A_417 = tpu.vector_load %arg13[%get3A_416] {strides = array<i32>} : memref<512xf32, #tpu.memory_space<vmem>>, vector<16xf32>,
    %add3A_418 = arith.addf %add3A_415, %get3A_417 : vector<16xf32>
    %add3A_419 = vector.broadcast %squeeze3A : f32 to vector<16xf32>
    %add3A_420 = arith.addf %add3A_418, %add3A_419 : vector<16xf32>
    %swap3A_421 = arith.constant 272 : index
    %swap3A_422 = tpu.vector_load %arg19[%swap3A_421] {strides = array<i32>} : memref<512xf32, #tpu.memory_space<vmem>>, vector<16xf32>,
    tpu.vector_store %arg19[%swap3A_421], %add3A_420 {strides = array<i32>} : memref<512xf32, #tpu.memory_space<vmem>>, vector<16xf32>,
    %get3A_423 = arith.constant 288 : index
    %get3A_424 = tpu.vector_load %arg19[%get3A_423] {strides = array<i32>} : memref<512xf32, #tpu.memory_space<vmem>>, vector<16xf32>,
    %get3A_425 = arith.constant 288 : index
    %get3A_426 = tpu.vector_load %arg12[%get3A_425] {strides = array<i32>} : memref<512xf32, #tpu.memory_space<vmem>>, vector<16xf32>,
    %add3A_427 = arith.addf %get3A_424, %get3A_426 : vector<16xf32>
    %get3A_428 = arith.constant 288 : index
    %get3A_429 = tpu.vector_load %arg13[%get3A_428] {strides = array<i32>} : memref<512xf32, #tpu.memory_space<vmem>>, vector<16xf32>,
    %add3A_430 = arith.addf %add3A_427, %get3A_429 : vector<16xf32>
    %add3A_431 = vector.broadcast %squeeze3A : f32 to vector<16xf32>
    %add3A_432 = arith.addf %add3A_430, %add3A_431 : vector<16xf32>
    %swap3A_433 = arith.constant 288 : index
    %swap3A_434 = tpu.vector_load %arg19[%swap3A_433] {strides = array<i32>} : memref<512xf32, #tpu.memory_space<vmem>>, vector<16xf32>,
    tpu.vector_store %arg19[%swap3A_433], %add3A_432 {strides = array<i32>} : memref<512xf32, #tpu.memory_space<vmem>>, vector<16xf32>,
    %get3A_435 = arith.constant 304 : index
    %get3A_436 = tpu.vector_load %arg19[%get3A_435] {strides = array<i32>} : memref<512xf32, #tpu.memory_space<vmem>>, vector<16xf32>,
    %get3A_437 = arith.constant 304 : index
    %get3A_438 = tpu.vector_load %arg12[%get3A_437] {strides = array<i32>} : memref<512xf32, #tpu.memory_space<vmem>>, vector<16xf32>,
    %add3A_439 = arith.addf %get3A_436, %get3A_438 : vector<16xf32>
    %get3A_440 = arith.constant 304 : index
    %get3A_441 = tpu.vector_load %arg13[%get3A_440] {strides = array<i32>} : memref<512xf32, #tpu.memory_space<vmem>>, vector<16xf32>,
    %add3A_442 = arith.addf %add3A_439, %get3A_441 : vector<16xf32>
    %add3A_443 = vector.broadcast %squeeze3A : f32 to vector<16xf32>
    %add3A_444 = arith.addf %add3A_442, %add3A_443 : vector<16xf32>
    %swap3A_445 = arith.constant 304 : index
    %swap3A_446 = tpu.vector_load %arg19[%swap3A_445] {strides = array<i32>} : memref<512xf32, #tpu.memory_space<vmem>>, vector<16xf32>,
    tpu.vector_store %arg19[%swap3A_445], %add3A_444 {strides = array<i32>} : memref<512xf32, #tpu.memory_space<vmem>>, vector<16xf32>,
    %get3A_447 = arith.constant 320 : index
    %get3A_448 = tpu.vector_load %arg19[%get3A_447] {strides = array<i32>} : memref<512xf32, #tpu.memory_space<vmem>>, vector<16xf32>,
    %get3A_449 = arith.constant 320 : index
    %get3A_450 = tpu.vector_load %arg12[%get3A_449] {strides = array<i32>} : memref<512xf32, #tpu.memory_space<vmem>>, vector<16xf32>,
    %add3A_451 = arith.addf %get3A_448, %get3A_450 : vector<16xf32>
    %get3A_452 = arith.constant 320 : index
    %get3A_453 = tpu.vector_load %arg13[%get3A_452] {strides = array<i32>} : memref<512xf32, #tpu.memory_space<vmem>>, vector<16xf32>,
    %add3A_454 = arith.addf %add3A_451, %get3A_453 : vector<16xf32>
    %add3A_455 = vector.broadcast %squeeze3A : f32 to vector<16xf32>
    %add3A_456 = arith.addf %add3A_454, %add3A_455 : vector<16xf32>
    %swap3A_457 = arith.constant 320 : index
    %swap3A_458 = tpu.vector_load %arg19[%swap3A_457] {strides = array<i32>} : memref<512xf32, #tpu.memory_space<vmem>>, vector<16xf32>,
    tpu.vector_store %arg19[%swap3A_457], %add3A_456 {strides = array<i32>} : memref<512xf32, #tpu.memory_space<vmem>>, vector<16xf32>,
    %get3A_459 = arith.constant 336 : index
    %get3A_460 = tpu.vector_load %arg19[%get3A_459] {strides = array<i32>} : memref<512xf32, #tpu.memory_space<vmem>>, vector<16xf32>,
    %get3A_461 = arith.constant 336 : index
    %get3A_462 = tpu.vector_load %arg12[%get3A_461] {strides = array<i32>} : memref<512xf32, #tpu.memory_space<vmem>>, vector<16xf32>,
    %add3A_463 = arith.addf %get3A_460, %get3A_462 : vector<16xf32>
    %get3A_464 = arith.constant 336 : index
    %get3A_465 = tpu.vector_load %arg13[%get3A_464] {strides = array<i32>} : memref<512xf32, #tpu.memory_space<vmem>>, vector<16xf32>,
    %add3A_466 = arith.addf %add3A_463, %get3A_465 : vector<16xf32>
    %add3A_467 = vector.broadcast %squeeze3A : f32 to vector<16xf32>
    %add3A_468 = arith.addf %add3A_466, %add3A_467 : vector<16xf32>
    %swap3A_469 = arith.constant 336 : index
    %swap3A_470 = tpu.vector_load %arg19[%swap3A_469] {strides = array<i32>} : memref<512xf32, #tpu.memory_space<vmem>>, vector<16xf32>,
    tpu.vector_store %arg19[%swap3A_469], %add3A_468 {strides = array<i32>} : memref<512xf32, #tpu.memory_space<vmem>>, vector<16xf32>,
    %get3A_471 = arith.constant 352 : index
    %get3A_472 = tpu.vector_load %arg19[%get3A_471] {strides = array<i32>} : memref<512xf32, #tpu.memory_space<vmem>>, vector<16xf32>,
    %get3A_473 = arith.constant 352 : index
    %get3A_474 = tpu.vector_load %arg12[%get3A_473] {strides = array<i32>} : memref<512xf32, #tpu.memory_space<vmem>>, vector<16xf32>,
    %add3A_475 = arith.addf %get3A_472, %get3A_474 : vector<16xf32>
    %get3A_476 = arith.constant 352 : index
    %get3A_477 = tpu.vector_load %arg13[%get3A_476] {strides = array<i32>} : memref<512xf32, #tpu.memory_space<vmem>>, vector<16xf32>,
    %add3A_478 = arith.addf %add3A_475, %get3A_477 : vector<16xf32>
    %add3A_479 = vector.broadcast %squeeze3A : f32 to vector<16xf32>
    %add3A_480 = arith.addf %add3A_478, %add3A_479 : vector<16xf32>
    %swap3A_481 = arith.constant 352 : index
    %swap3A_482 = tpu.vector_load %arg19[%swap3A_481] {strides = array<i32>} : memref<512xf32, #tpu.memory_space<vmem>>, vector<16xf32>,
    tpu.vector_store %arg19[%swap3A_481], %add3A_480 {strides = array<i32>} : memref<512xf32, #tpu.memory_space<vmem>>, vector<16xf32>,
    %get3A_483 = arith.constant 368 : index
    %get3A_484 = tpu.vector_load %arg19[%get3A_483] {strides = array<i32>} : memref<512xf32, #tpu.memory_space<vmem>>, vector<16xf32>,
    %get3A_485 = arith.constant 368 : index
    %get3A_486 = tpu.vector_load %arg12[%get3A_485] {strides = array<i32>} : memref<512xf32, #tpu.memory_space<vmem>>, vector<16xf32>,
    %add3A_487 = arith.addf %get3A_484, %get3A_486 : vector<16xf32>
    %get3A_488 = arith.constant 368 : index
    %get3A_489 = tpu.vector_load %arg13[%get3A_488] {strides = array<i32>} : memref<512xf32, #tpu.memory_space<vmem>>, vector<16xf32>,
    %add3A_490 = arith.addf %add3A_487, %get3A_489 : vector<16xf32>
    %add3A_491 = vector.broadcast %squeeze3A : f32 to vector<16xf32>
    %add3A_492 = arith.addf %add3A_490, %add3A_491 : vector<16xf32>
    %swap3A_493 = arith.constant 368 : index
    %swap3A_494 = tpu.vector_load %arg19[%swap3A_493] {strides = array<i32>} : memref<512xf32, #tpu.memory_space<vmem>>, vector<16xf32>,
    tpu.vector_store %arg19[%swap3A_493], %add3A_492 {strides = array<i32>} : memref<512xf32, #tpu.memory_space<vmem>>, vector<16xf32>,
    %get3A_495 = arith.constant 384 : index
    %get3A_496 = tpu.vector_load %arg19[%get3A_495] {strides = array<i32>} : memref<512xf32, #tpu.memory_space<vmem>>, vector<16xf32>,
    %get3A_497 = arith.constant 384 : index
    %get3A_498 = tpu.vector_load %arg12[%get3A_497] {strides = array<i32>} : memref<512xf32, #tpu.memory_space<vmem>>, vector<16xf32>,
    %add3A_499 = arith.addf %get3A_496, %get3A_498 : vector<16xf32>
    %get3A_500 = arith.constant 384 : index
    %get3A_501 = tpu.vector_load %arg13[%get3A_500] {strides = array<i32>} : memref<512xf32, #tpu.memory_space<vmem>>, vector<16xf32>,
    %add3A_502 = arith.addf %add3A_499, %get3A_501 : vector<16xf32>
    %add3A_503 = vector.broadcast %squeeze3A : f32 to vector<16xf32>
    %add3A_504 = arith.addf %add3A_502, %add3A_503 : vector<16xf32>
    %swap3A_505 = arith.constant 384 : index
    %swap3A_506 = tpu.vector_load %arg19[%swap3A_505] {strides = array<i32>} : memref<512xf32, #tpu.memory_space<vmem>>, vector<16xf32>,
    tpu.vector_store %arg19[%swap3A_505], %add3A_504 {strides = array<i32>} : memref<512xf32, #tpu.memory_space<vmem>>, vector<16xf32>,
    %get3A_507 = arith.constant 400 : index
    %get3A_508 = tpu.vector_load %arg19[%get3A_507] {strides = array<i32>} : memref<512xf32, #tpu.memory_space<vmem>>, vector<16xf32>,
    %get3A_509 = arith.constant 400 : index
    %get3A_510 = tpu.vector_load %arg12[%get3A_509] {strides = array<i32>} : memref<512xf32, #tpu.memory_space<vmem>>, vector<16xf32>,
    %add3A_511 = arith.addf %get3A_508, %get3A_510 : vector<16xf32>
    %get3A_512 = arith.constant 400 : index
    %get3A_513 = tpu.vector_load %arg13[%get3A_512] {strides = array<i32>} : memref<512xf32, #tpu.memory_space<vmem>>, vector<16xf32>,
    %add3A_514 = arith.addf %add3A_511, %get3A_513 : vector<16xf32>
    %add3A_515 = vector.broadcast %squeeze3A : f32 to vector<16xf32>
    %add3A_516 = arith.addf %add3A_514, %add3A_515 : vector<16xf32>
    %swap3A_517 = arith.constant 400 : index
    %swap3A_518 = tpu.vector_load %arg19[%swap3A_517] {strides = array<i32>} : memref<512xf32, #tpu.memory_space<vmem>>, vector<16xf32>,
    tpu.vector_store %arg19[%swap3A_517], %add3A_516 {strides = array<i32>} : memref<512xf32, #tpu.memory_space<vmem>>, vector<16xf32>,
    %get3A_519 = arith.constant 416 : index
    %get3A_520 = tpu.vector_load %arg19[%get3A_519] {strides = array<i32>} : memref<512xf32, #tpu.memory_space<vmem>>, vector<16xf32>,
    %get3A_521 = arith.constant 416 : index
    %get3A_522 = tpu.vector_load %arg12[%get3A_521] {strides = array<i32>} : memref<512xf32, #tpu.memory_space<vmem>>, vector<16xf32>,
    %add3A_523 = arith.addf %get3A_520, %get3A_522 : vector<16xf32>
    %get3A_524 = arith.constant 416 : index
    %get3A_525 = tpu.vector_load %arg13[%get3A_524] {strides = array<i32>} : memref<512xf32, #tpu.memory_space<vmem>>, vector<16xf32>,
    %add3A_526 = arith.addf %add3A_523, %get3A_525 : vector<16xf32>
    %add3A_527 = vector.broadcast %squeeze3A : f32 to vector<16xf32>
    %add3A_528 = arith.addf %add3A_526, %add3A_527 : vector<16xf32>
    %swap3A_529 = arith.constant 416 : index
    %swap3A_530 = tpu.vector_load %arg19[%swap3A_529] {strides = array<i32>} : memref<512xf32, #tpu.memory_space<vmem>>, vector<16xf32>,
    tpu.vector_store %arg19[%swap3A_529], %add3A_528 {strides = array<i32>} : memref<512xf32, #tpu.memory_space<vmem>>, vector<16xf32>,
    %get3A_531 = arith.constant 432 : index
    %get3A_532 = tpu.vector_load %arg19[%get3A_531] {strides = array<i32>} : memref<512xf32, #tpu.memory_space<vmem>>, vector<16xf32>,
    %get3A_533 = arith.constant 432 : index
    %get3A_534 = tpu.vector_load %arg12[%get3A_533] {strides = array<i32>} : memref<512xf32, #tpu.memory_space<vmem>>, vector<16xf32>,
    %add3A_535 = arith.addf %get3A_532, %get3A_534 : vector<16xf32>
    %get3A_536 = arith.constant 432 : index
    %get3A_537 = tpu.vector_load %arg13[%get3A_536] {strides = array<i32>} : memref<512xf32, #tpu.memory_space<vmem>>, vector<16xf32>,
    %add3A_538 = arith.addf %add3A_535, %get3A_537 : vector<16xf32>
    %add3A_539 = vector.broadcast %squeeze3A : f32 to vector<16xf32>
    %add3A_540 = arith.addf %add3A_538, %add3A_539 : vector<16xf32>
    %swap3A_541 = arith.constant 432 : index
    %swap3A_542 = tpu.vector_load %arg19[%swap3A_541] {strides = array<i32>} : memref<512xf32, #tpu.memory_space<vmem>>, vector<16xf32>,
    tpu.vector_store %arg19[%swap3A_541], %add3A_540 {strides = array<i32>} : memref<512xf32, #tpu.memory_space<vmem>>, vector<16xf32>,
    %get3A_543 = arith.constant 448 : index
    %get3A_544 = tpu.vector_load %arg19[%get3A_543] {strides = array<i32>} : memref<512xf32, #tpu.memory_space<vmem>>, vector<16xf32>,
    %get3A_545 = arith.constant 448 : index
    %get3A_546 = tpu.vector_load %arg12[%get3A_545] {strides = array<i32>} : memref<512xf32, #tpu.memory_space<vmem>>, vector<16xf32>,
    %add3A_547 = arith.addf %get3A_544, %get3A_546 : vector<16xf32>
    %get3A_548 = arith.constant 448 : index
    %get3A_549 = tpu.vector_load %arg13[%get3A_548] {strides = array<i32>} : memref<512xf32, #tpu.memory_space<vmem>>, vector<16xf32>,
    %add3A_550 = arith.addf %add3A_547, %get3A_549 : vector<16xf32>
    %add3A_551 = vector.broadcast %squeeze3A : f32 to vector<16xf32>
    %add3A_552 = arith.addf %add3A_550, %add3A_551 : vector<16xf32>
    %swap3A_553 = arith.constant 448 : index
    %swap3A_554 = tpu.vector_load %arg19[%swap3A_553] {strides = array<i32>} : memref<512xf32, #tpu.memory_space<vmem>>, vector<16xf32>,
    tpu.vector_store %arg19[%swap3A_553], %add3A_552 {strides = array<i32>} : memref<512xf32, #tpu.memory_space<vmem>>, vector<16xf32>,
    %get3A_555 = arith.constant 464 : index
    %get3A_556 = tpu.vector_load %arg19[%get3A_555] {strides = array<i32>} : memref<512xf32, #tpu.memory_space<vmem>>, vector<16xf32>,
    %get3A_557 = arith.constant 464 : index
    %get3A_558 = tpu.vector_load %arg12[%get3A_557] {strides = array<i32>} : memref<512xf32, #tpu.memory_space<vmem>>, vector<16xf32>,
    %add3A_559 = arith.addf %get3A_556, %get3A_558 : vector<16xf32>
    %get3A_560 = arith.constant 464 : index
    %get3A_561 = tpu.vector_load %arg13[%get3A_560] {strides = array<i32>} : memref<512xf32, #tpu.memory_space<vmem>>, vector<16xf32>,
    %add3A_562 = arith.addf %add3A_559, %get3A_561 : vector<16xf32>
    %add3A_563 = vector.broadcast %squeeze3A : f32 to vector<16xf32>
    %add3A_564 = arith.addf %add3A_562, %add3A_563 : vector<16xf32>
    %swap3A_565 = arith.constant 464 : index
    %swap3A_566 = tpu.vector_load %arg19[%swap3A_565] {strides = array<i32>} : memref<512xf32, #tpu.memory_space<vmem>>, vector<16xf32>,
    tpu.vector_store %arg19[%swap3A_565], %add3A_564 {strides = array<i32>} : memref<512xf32, #tpu.memory_space<vmem>>, vector<16xf32>,
    %get3A_567 = arith.constant 480 : index
    %get3A_568 = tpu.vector_load %arg19[%get3A_567] {strides = array<i32>} : memref<512xf32, #tpu.memory_space<vmem>>, vector<16xf32>,
    %get3A_569 = arith.constant 480 : index
    %get3A_570 = tpu.vector_load %arg12[%get3A_569] {strides = array<i32>} : memref<512xf32, #tpu.memory_space<vmem>>, vector<16xf32>,
    %add3A_571 = arith.addf %get3A_568, %get3A_570 : vector<16xf32>
    %get3A_572 = arith.constant 480 : index
    %get3A_573 = tpu.vector_load %arg13[%get3A_572] {strides = array<i32>} : memref<512xf32, #tpu.memory_space<vmem>>, vector<16xf32>,
    %add3A_574 = arith.addf %add3A_571, %get3A_573 : vector<16xf32>
    %add3A_575 = vector.broadcast %squeeze3A : f32 to vector<16xf32>
    %add3A_576 = arith.addf %add3A_574, %add3A_575 : vector<16xf32>
    %swap3A_577 = arith.constant 480 : index
    %swap3A_578 = tpu.vector_load %arg19[%swap3A_577] {strides = array<i32>} : memref<512xf32, #tpu.memory_space<vmem>>, vector<16xf32>,
    tpu.vector_store %arg19[%swap3A_577], %add3A_576 {strides = array<i32>} : memref<512xf32, #tpu.memory_space<vmem>>, vector<16xf32>,
    %get3A_579 = arith.constant 496 : index
    %get3A_580 = tpu.vector_load %arg19[%get3A_579] {strides = array<i32>} : memref<512xf32, #tpu.memory_space<vmem>>, vector<16xf32>,
    %get3A_581 = arith.constant 496 : index
    %get3A_582 = tpu.vector_load %arg12[%get3A_581] {strides = array<i32>} : memref<512xf32, #tpu.memory_space<vmem>>, vector<16xf32>,
    %add3A_583 = arith.addf %get3A_580, %get3A_582 : vector<16xf32>
    %get3A_584 = arith.constant 496 : index
    %get3A_585 = tpu.vector_load %arg13[%get3A_584] {strides = array<i32>} : memref<512xf32, #tpu.memory_space<vmem>>, vector<16xf32>,
    %add3A_586 = arith.addf %add3A_583, %get3A_585 : vector<16xf32>
    %add3A_587 = vector.broadcast %squeeze3A : f32 to vector<16xf32>
    %add3A_588 = arith.addf %add3A_586, %add3A_587 : vector<16xf32>
    %swap3A_589 = arith.constant 496 : index
    %swap3A_590 = tpu.vector_load %arg19[%swap3A_589] {strides = array<i32>} : memref<512xf32, #tpu.memory_space<vmem>>, vector<16xf32>,
    tpu.vector_store %arg19[%swap3A_589], %add3A_588 {strides = array<i32>} : memref<512xf32, #tpu.memory_space<vmem>>, vector<16xf32>,
    "tpu.region"() ({
      %run_scoped3A = tpu.sem_alloc : memref<!tpu.dma_semaphore, #tpu.memory_space<semaphore_mem>>
      %dma_start3A_591 = tpu.memref_slice %arg9[%mul3A_2] : memref<16384xf32, #tpu.memory_space<hbm>> -> memref<512xf32, #tpu.memory_space<hbm>>
      %dma_start3A_592 = tpu.memref_slice %arg9[%mul3A_2] : memref<16384xf32, #tpu.memory_space<hbm>> -> memref<512xf32, #tpu.memory_space<hbm>>
      tpu.enqueue_dma source(%arg19 : memref<512xf32, #tpu.memory_space<vmem>>) target(%dma_start3A_592 : memref<512xf32, #tpu.memory_space<hbm>>) target_semaphore(%run_scoped3A : memref<!tpu.dma_semaphore, #tpu.memory_space<semaphore_mem>>)
      %dma_wait3A_593 = tpu.memref_slice %arg9[%mul3A_2] : memref<16384xf32, #tpu.memory_space<hbm>> -> memref<512xf32, #tpu.memory_space<hbm>>
      %dma_wait3A_594 = tpu.memref_slice %arg9[%mul3A_2] : memref<16384xf32, #tpu.memory_space<hbm>> -> memref<512xf32, #tpu.memory_space<hbm>>
      tpu.wait_dma2 semaphore(%run_scoped3A : memref<!tpu.dma_semaphore, #tpu.memory_space<semaphore_mem>>) src(%arg19 : memref<512xf32, #tpu.memory_space<vmem>>) dst(%dma_wait3A_594 : memref<512xf32, #tpu.memory_space<hbm>>)
      tpu.yield
    }) : () -> ()
    return
  }
}

</mosaic_0001>

<sc_bundles>
// kernel: kernel.3.cloned.1.call-start
scs
__scs_entry_jumppad:
0x0: {  	(pc) =	sbr.rel $0x88, $3  }
0x1: {  	(tag) =	ssettag $0x0;
	lr =	simm.s32 $0x1  }
0x2: {  	[smem:$0x3F9A] =	sst lr;
	_ =	strace $0xD0000000  }
0x3: {  	_ = 	snop  }
0x4: {  	_ = 	snop  }
0x5: {  	_ = 	snop  }
0x6: {  	_ = 	snop  }
0x7: {  	_ = 	snop  }
__scs_overlays_trampoline_lowered:
0x8: {  	[smem:$0x3FA9] =	sst s0  }
0x9: {  	[smem:$0x3FAA] =	sst s1  }
0xa: {  	[smem:$0x3FAB] =	sst s2  }
0xb: {  	[smem:$0x3FAC] =	sst s3  }
0xc: {  	[smem:$0x3FAD] =	sst s4  }
0xd: {  	[smem:$0x3FAE] =	sst s5  }
0xe: {  	[smem:$0x3FAF] =	sst s6  }
0xf: {  	[smem:$0x3FB0] =	sst s7  }
0x10: {  	[smem:$0x3FB1] =	sst s8  }
0x11: {  	[smem:$0x3FB2] =	sst s9;
	s0 =	simm.s32 @!p0 $0x0  }
0x12: {  	s1 =	sld [smem:$0x3F98];
	s0 =	simm.s32 @p0 $0x1  }
0x13: {  	[smem:$0x3FB3] =	sst s0;
	s0 =	simm.s32 @!p1 $0x0  }
0x14: {  	s2 =	sld [smem:$0x3F97];
	s0 =	simm.s32 @p1 $0x1  }
0x15: {  	[smem:$0x3FB4] =	sst s0;
	s0 =	simm.s32 @!p2 $0x0  }
0x16: {  	s3 =	sld [smem:$0x3FDB];
	s0 =	simm.s32 @p2 $0x1  }
0x17: {  	s4 =	simm.s32 $0x1BF5;
	[smem:$0x3FB6] =	sst s0  }
0x18: {  	s0 =	sld [smem:$0x3F99];
	_ =	swait.ge [sflag:s4], $0x0  }
0x19: {  	s7 =	sld [smem:$0x3F9A]  }
0x1a: {  	s8 =	sadd.s32 $0xFFFFE003, lr  }
0x1b: {  	s9 =	sadd.s32 $0xFFFFFEF7, lr;
	s5 =	simm.s32 $0xFFFFFFFF;
	p2 =	slt.u32 s8, $0xFFFFF086  }
0x1c: {  	p1 =	slt.u32 s9, $0xF7A;
	s5 =	simm.s32 @!p2 $0x0  }
0x1d: {  	s5 =	simm.s32 @p1 $0x1;
	p0 =	seq.s32 s7, s2  }
0x1e: {  	s7 =	smul.u32 @!p0 $0xF7A, s2;
	p2 =	seq.s32 @!p0 s5, $0x0  }
0x1f: {  	s9 =	smul.u32 $0xF7A, s1;
	s8 =	simm.s32 @!p0 $0x1BF5;
	p2 =	por !p2, p0  }
0x20: {  	[sflag:s8] =	ssyncset.s32 @!p0 $0xFFFFF086;
	s6 =	sadd.s32 @!p0 s3, s7;
	s7 =	simm.s32 @!p0 $0x108  }
0x21: {  	s3 =	sadd.s32 s3, s9;
	s6 =	sadd.s32 @!p0 $0x88, s6;
	s7 =	simm.s32 @p2 $0x1082  }
0x22: {  	[simem:s7], [sflag:s8] =	dma.local @!p0 [hbm:s6], $0xF7A  }
0x23: {  	s9 =	sor.u32 $0xD0000000, s2;
	s6 =	simm.s32 $0x108;
	_ =	swait.ge @!p0 [sflag:s8], $0x0  }
0x24: {  	s3 =	sadd.s32 $0x88, s3;
	s6 =	simm.s32 @!p1 $0x1082;
	[sflag:s4] =	ssyncset.s32 $0xFFFFF086  }
0x25: {  	[simem:s6], [sflag:s4] =	dma.local [hbm:s3], $0xF7A  }
0x26: {  	[smem:$0x3F9A] =	sst s1;
	(tag) =	ssettag s2;
	_ =	strace s9  }
0x27: {  	s1 =	sld [smem:$0x3FAA]  }
0x28: {  	s2 =	sld [smem:$0x3FAB]  }
0x29: {  	s4 =	sld [smem:$0x3FAD]  }
0x2a: {  	p0 =	seq.s32 s5, $0x0;
	s5 =	sld [smem:$0x3FAE]  }
0x2b: {  	s6 =	sld [smem:$0x3FAF]  }
0x2c: {  	s7 =	sld [smem:$0x3FB0]  }
0x2d: {  	s3 =	simm.s32 $0x108;
	s8 =	sld [smem:$0x3FB1]  }
0x2e: {  	s3 =	simm.s32 @!p0 $0x1082;
	s9 =	sld [smem:$0x3FB2]  }
0x2f: {  	lr =	sadd.s32 s0, s3;
	s0 =	sld [smem:$0x3FA9]  }
0x30: {  	s3 =	sld [smem:$0x3FAC]  }
0x31: {  	[smem:$0x3FB5] =	sst s10  }
0x32: {  	s10 =	sld [smem:$0x3FB3];
	_ =	sdelay $0x3  }
0x33: {  	p0 =	seq.s32 s10, $0x1;
	s10 =	sld [smem:$0x3FB5];
	_ =	sdelay $0x3  }
0x34: {  	[smem:$0x3FB5] =	sst s10  }
0x35: {  	s10 =	sld [smem:$0x3FB4];
	_ =	sdelay $0x3  }
0x36: {  	p1 =	seq.s32 s10, $0x1;
	s10 =	sld [smem:$0x3FB5];
	_ =	sdelay $0x3  }
0x37: {  	[smem:$0x3FB5] =	sst s10  }
0x38: {  	s10 =	sld [smem:$0x3FB6]  }
0x39: {  	_ = 	snop;
	(pc) =	sbr.ind lr, $3  }
0x3a: {  	_ = 	snop  }
0x3b: {  	_ = 	snop  }
0x3c: {  	p2 =	seq.s32 s10, $0x1;
	s10 =	sld [smem:$0x3FB5]  }
0x3d: {  	_ =	shalt  }
0x3e: {  	_ =	shalt  }
0x3f: {  	_ =	shalt  }
0x40: {  	_ =	shalt  }
0x41: {  	_ =	shalt  }
0x42: {  	_ =	shalt  }
0x43: {  	_ =	shalt  }
0x44: {  	_ =	shalt  }
0x45: {  	_ =	shalt  }
0x46: {  	_ =	shalt  }
0x47: {  	_ =	shalt  }
0x48: {  	_ =	shalt  }
0x49: {  	_ =	shalt  }
0x4a: {  	_ =	shalt  }
0x4b: {  	_ =	shalt  }
0x4c: {  	_ =	shalt  }
0x4d: {  	_ =	shalt  }
0x4e: {  	_ =	shalt  }
0x4f: {  	_ =	shalt  }
0x50: {  	_ =	shalt  }
0x51: {  	_ =	shalt  }
0x52: {  	_ =	shalt  }
0x53: {  	_ =	shalt  }
0x54: {  	_ =	shalt  }
0x55: {  	_ =	shalt  }
0x56: {  	_ =	shalt  }
0x57: {  	_ =	shalt  }
0x58: {  	_ =	shalt  }
0x59: {  	_ =	shalt  }
0x5a: {  	_ =	shalt  }
0x5b: {  	_ =	shalt  }
0x5c: {  	_ =	shalt  }
0x5d: {  	_ =	shalt  }
0x5e: {  	_ =	shalt  }
0x5f: {  	_ =	shalt  }
0x60: {  	_ =	shalt  }
0x61: {  	_ =	shalt  }
0x62: {  	_ =	shalt  }
0x63: {  	_ =	shalt  }
0x64: {  	_ =	shalt  }
0x65: {  	_ =	shalt  }
0x66: {  	_ =	shalt  }
0x67: {  	_ =	shalt  }
0x68: {  	_ =	shalt  }
0x69: {  	_ =	shalt  }
0x6a: {  	_ =	shalt  }
0x6b: {  	_ =	shalt  }
0x6c: {  	_ =	shalt  }
0x6d: {  	_ =	shalt  }
0x6e: {  	_ =	shalt  }
0x6f: {  	_ =	shalt  }
0x70: {  	_ =	shalt  }
0x71: {  	_ =	shalt  }
0x72: {  	_ =	shalt  }
0x73: {  	_ =	shalt  }
0x74: {  	_ =	shalt  }
0x75: {  	_ =	shalt  }
0x76: {  	_ =	shalt  }
0x77: {  	_ =	shalt  }
0x78: {  	_ =	shalt  }
0x79: {  	_ =	shalt  }
0x7a: {  	_ =	shalt  }
0x7b: {  	_ =	shalt  }
0x7c: {  	_ =	shalt  }
0x7d: {  	_ =	shalt  }
0x7e: {  	_ =	shalt  }
0x7f: {  	_ =	shalt  }
0x80: {  	_ =	shalt  }
0x81: {  	_ =	shalt  }
0x82: {  	_ =	shalt  }
0x83: {  	_ =	shalt  }
0x84: {  	_ =	shalt  }
0x85: {  	_ =	shalt  }
0x86: {  	_ =	shalt  }
0x87: {  	_ =	shalt  }
.Lfunc_end0:
.L_simem_size_0:
called_computation_lowered:
.L_overlay_start_0:
0x88: {  	s2 =	sld [smem:$0x3FD9]  }
0x89: {  	s3 =	sld [smem:$0x3FFE];
	_ =	sdelay $0x1  }
0x8a: {  	s1 =	srdreg.scid  }
0x8b: {  	s0 =	sand.u32 $0x1, s1  }
0x8c: {  	s17 =	sshll.u32 s0, $0xA;
	s2 =	sadd.s32 s3, s2  }
0x8d: {  	s2 =	sadd.s32 s2, s17  }
0x8e: {  	[smem:$0x3FC1] =	sst s2  }
0x8f: {  	_ = 	snop  }
0x90: {  	s2 =	sld [smem:$0x3FC9]  }
0x91: {  	s18 =	sld [smem:$0x3FC8]  }
0x92: {  	s4 =	sld [smem:$0x3FC7]  }
0x93: {  	s5 =	sld [smem:$0x3FC6]  }
0x94: {  	s6 =	sld [smem:$0x3FC3]  }
0x95: {  	s7 =	sld [smem:$0x3FD0];
	(tm) =	ssettm $0x1  }
0x96: {  	s8 =	sld [smem:$0x3FFB];
	_ =	sdelay $0x3  }
0x97: {  	_ =	strace s8  }
0x98: {  	s8 =	sld [smem:$0x3FFC];
	_ =	sdelay $0x3  }
0x99: {  	_ =	strace s8  }
0x9a: {  	s8 =	sld [smem:$0x3FFD];
	_ =	sdelay $0x3  }
0x9b: {  	_ =	strace s8  }
0x9c: {  	_ =	strace $0x8FFFFFFF  }
0x9d: {  	s19 =	sld [smem:$0x3FDB];
	_ =	sdelay $0x1  }
0x9e: {  	s9 =	simm.s32 $_scs_section_size  }
0x9f: {  	s10 =	simm.s32 $_size__tile_overlayer_lowered;
	s11 =	simm.s32 $_tile_overlayer_lowered  }
0xa0: {  	s22 =	simm.s32 $0x1BFF;
	s21 =	sshll.u32 s11, $0x1;
	s8 =	sadd.s32 s9, s19  }
0xa1: {  	s12 =	simm.s32 $0x0;
	s20 =	sshll.u32 s10, $0x1;
	s10 =	sadd.s32 s21, s8  }
0xa2: {  	[timem:s12], [sflag:s22] =	dma.local [hbm:s10], s20  }
0xa3: {  	_ =	swait.ge [sflag:s22], s20  }
0xa4: {  	s9 =	ssub.s32 $0x0, s20;
	[sflag:s22] =	ssyncset.done $0x0  }
0xa5: {  	[sflag:s22] =	ssyncadd.s32 s9;
	_ =	sdelay $0x1  }
0xa6: {  	s23 =	simm.s32 $0x1B8B  }
0xa7: {  	_ =	swait.ge [sflag:s23], $0x1  }
0xa8: {  	[sflag:s23] =	ssyncset.done $0x0  }
0xa9: {  	s25 =	simm.s32 $0x1B8E;
	s24 =	sld [smem:$0x3FFE];
	[sflag:s23] =	ssyncadd.s32 $0xFFFFFFFF  }
0xaa: {  	s26 =	simm.s32 $execute0_lowered;
	[smem:$0x3FD2] =	sst s25  }
0xab: {  	s10 =	sshll.u32 s26, $0x1;
	_ =	strace $0x80000046;
	[dreg:$0x1] =	wrdreg $0xFFFFFFFF  }
0xac: {  	s28 =	simm.s32 $_size_execute0_lowered;
	s8 =	sadd.s32 s8, s10;
	[dreg:$0x0] =	wrdreg $0x0  }
0xad: {  	s10 =	sshll.u32 s28, $0x1;
	[dreg:$0x2] =	wrdreg s8  }
0xae: {  	[dreg:$0x3] =	wrdreg s10  }
0xaf: {  	[dreg:$0x4] =	wrdreg $0xC0  }
0xb0: {  	_ =	task [dreg:s12], $0x5FFFF  }
0xb1: {  	[dreg:$0x1] =	wrdreg $0xFFFFFFFF  }
0xb2: {  	[dreg:$0x0] =	wrdreg $0x60  }
0xb3: {  	[dreg:$0x2] =	wrdreg s2  }
0xb4: {  	[dreg:$0x3] =	wrdreg s18  }
0xb5: {  	[dreg:$0x4] =	wrdreg s4  }
0xb6: {  	[dreg:$0x5] =	wrdreg s5  }
0xb7: {  	[dreg:$0x6] =	wrdreg s24  }
0xb8: {  	[dreg:$0x7] =	wrdreg s6  }
0xb9: {  	[dreg:$0x8] =	wrdreg s7  }
0xba: {  	[dreg:$0x9] =	wrdreg $0x9  }
0xbb: {  	_ =	task.clear_ibuf [dreg:s12], $0xAFFFF;
	_ =	strace $0x90000046  }
0xbc: {  	s29 =	simm.s32 $0x9;
	_ =	strace $0x80000048  }
0xbd: {  	_ =	swait.ge [sflag:s29], $0x1  }
0xbe: {  	[sflag:s29] =	ssyncadd.s32 $0xFFFFFFFF  }
0xbf: {  	_ =	strace $0x90000048  }
0xc0: {  	_ =	sfence  }
0xc1: {  	s30 =	sld [smem:$0x0];
	_ =	sdelay $0x2  }
0xc2: {  	s31 =	sshll.u32 s1, $0xD;
	s1 =	sshrl.u32 s1, $0x2  }
0xc3: {  	s3 =	sand.u32 $0x4000, s31;
	s1 =	sadd.s32 s1, s30  }
0xc4: {  	s0 =	sor.u32 s3, s0;
	s1 =	sshll.u32 s1, $0x11  }
0xc5: {  	s0 =	sor.u32 s1, s0  }
0xc6: {  	s0 =	sadd.s32 $0x8F2B, s0  }
0xc7: {  	[sflag:s0] =	ssyncadd.remote.s32 $0x1  }
0xc8: {  	_ =	sfence.sel $0xFFFF  }
0xc9: {  	[dreg:$0x0] =	wrdreg $0xFFFFFFFF;
	(pc) =	sbr.abs _section_cstart, $3  }
0xca: {  	[dreg:$0x1] =	wrdreg $0xFFFFFFFF  }
0xcb: {  	_ =	task.clear_ibuf [dreg:s12], $0x2FFFF;
	_ =	strace $0x9FFFFFFF  }
0xcc: {  	(tm) =	ssettm $0x7FFFFFFF  }
0xcd: {  	_ =	shalt  }
tec
execute0_lowered:
.L_overlay_start_1:
0x0: {  	(tag) =	ssettag $0x1  }
0x1: {  	s0 =	rddreg [dreg:$0x0]  }
0x2: {  	s4 =	rddreg [dreg:$0x1]  }
0x3: {  	s1 =	rddreg [dreg:$0x2]  }
0x4: {  	s2 =	rddreg [dreg:$0x3]  }
0x5: {  	s3 =	rddreg [dreg:$0x4]  }
0x6: {  	s6 =	rddreg [dreg:$0x6];
	s5 =	simm.s32 $0x0;
	s7 =	srdreg.scid  }
0x7: {  	s10 =	stileid.u32;
	s13 =	simm.s32 $0x200;
	s15 =	simm.s32 $0x80  }
0x8: {  	s28 =	simm.s32 $0x380;
	s30 =	simm.s32 $0x880;
	s31 =	simm.s32 $0x8880  }
0x9: {  	s14 =	simm.s32 $0x2;
	s16 =	simm.s32 $0x3;
	s18 =	simm.s32 $0x0  }
0xa: {  	[smem:$0x7FF] =	sst s5;
	s7 =	sand.u32 $0x1, s7;
	s10 =	sshll.u32 s10, $0x7  }
0xb: {  	_ =	strace $0x80000047;
	s8 =	ssub.s32 $0x2, s7;
	s11 =	sshll.u32 s7, $0x6  }
0xc: {  	s7 =	sadd.s32 $0x3200, s3;
	s9 =	sshrl.u32 s8, $0x1;
	s10 =	sor.u32 s11, s10  }
0xd: {  	s12 =	ssub.s32 s8, s9;
	s8 =	sadd.s32 s0, s10;
	s9 =	sadd.s32 s4, s10  }
0xe: {  	s10 =	sadd.s32 s6, s10;
	s0 =	simm.s32 $0x4880;
	s6 =	simm.s32 $0xC880  }
0xf: {  	v0 =	vlaneseq.u32;
	s4 =	simm.s32 $0x1;
	s11 =	smax.u32 s12, $0x1;
	s12 =	simm.s32 $0x4  }
.LBB2_1:
0x10: {  	[tilespmem:s5], [sflag:$0x4] =	stream.linear.gather [hbm4b:s8+s5], $0x200, $0x38;
	[tilespmem:$0x10A80] =	vst v63  }
0x11: {  	_ =	swait.ge [sflag:s12], $0x200  }
0x12: {  	[sflag:s12] =	ssyncset.done $0x0  }
0x13: {  	[sflag:s12] =	ssyncadd.s32 $0xFFFFFE00  }
0x14: {  	[tilespmem:s13], [sflag:$0x4] =	stream.linear.gather [hbm4b:s9+s5], $0x200, $0x38;
	[tilespmem:$0x10A80] =	vst v63  }
0x15: {  	_ =	swait.ge [sflag:s12], $0x200  }
0x16: {  	[sflag:s12] =	ssyncset.done $0x0  }
0x17: {  	[sflag:s12] =	ssyncadd.s32 $0xFFFFFE00  }
0x18: {  	s19 =	simm.s32 $0x800;
	s17 =	rddreg [dreg:$0x5]  }
0x19: {  	[tilespmem:s19], [sflag:$0x4] =	stream.linear.gather [hbm4b:s17+s5], $0x1, $0x38;
	[tilespmem:$0x10A80] =	vst v63  }
0x1a: {  	_ =	swait.ge [sflag:s12], $0x1  }
0x1b: {  	[sflag:s12] =	ssyncset.done $0x0  }
0x1c: {  	s29 =	simm.s32 $0x400;
	[sflag:s12] =	ssyncadd.s32 $0xFFFFFFFF  }
0x1d: {  	[tilespmem:s29], [sflag:$0x3] =	stream.indirect.gather [hbm4b:s7+s15], $0x1, s5, s15, $0xb8;
	[tilespmem:$0x10A80] =	vst v63  }
0x1e: {  	s19 =	simm.s32 $0x600  }
0x1f: {  	[tilespmem:s19], [sflag:$0x3] =	stream.indirect.gather [hbm4b:s3+s15], $0x1, s13, s15, $0xb8;
	[tilespmem:$0x10A80] =	vst v63  }
0x20: {  	s20 =	simm.s32 $0x480  }
0x21: {  	[tilespmem:s20], [sflag:$0x3] =	stream.indirect.gather [hbm4b:s7+s15], $0x1, s15, s15, $0xb8;
	[tilespmem:$0x10A80] =	vst v63  }
0x22: {  	s21 =	simm.s32 $0x680;
	s17 =	simm.s32 $0x280  }
0x23: {  	[tilespmem:s21], [sflag:$0x3] =	stream.indirect.gather [hbm4b:s3+s15], $0x1, s17, s15, $0xb8;
	[tilespmem:$0x10A80] =	vst v63  }
0x24: {  	s22 =	simm.s32 $0x100;
	s20 =	simm.s32 $0x500  }
0x25: {  	[tilespmem:s20], [sflag:$0x3] =	stream.indirect.gather [hbm4b:s7+s15], $0x1, s22, s15, $0xb8;
	[tilespmem:$0x10A80] =	vst v63  }
0x26: {  	s23 =	simm.s32 $0x300;
	s24 =	simm.s32 $0x700  }
0x27: {  	[tilespmem:s24], [sflag:$0x3] =	stream.indirect.gather [hbm4b:s3+s15], $0x1, s23, s15, $0xb8;
	[tilespmem:$0x10A80] =	vst v63  }
0x28: {  	s25 =	simm.s32 $0x180;
	s26 =	simm.s32 $0x580  }
0x29: {  	[tilespmem:s26], [sflag:$0x3] =	stream.indirect.gather [hbm4b:s7+s15], $0x1, s25, s15, $0xb8;
	[tilespmem:$0x10A80] =	vst v63  }
0x2a: {  	s29 =	simm.s32 $0x780  }
0x2b: {  	[tilespmem:s29], [sflag:$0x3] =	stream.indirect.gather [hbm4b:s3+s15], $0x1, s28, s15, $0xb8;
	[tilespmem:$0x10A80] =	vst v63  }
0x2c: {  	_ = 	snop  }
0x2d: {  	[tilespmem:s30], [sflag:$0x1] =	stream.indirect.gather [hbm4b:s1+s15], $0x80, s5, s15, $0xb8;
	[tilespmem:$0x10A80] =	vst v63  }
0x2e: {  	_ = 	snop  }
0x2f: {  	[tilespmem:s31], [sflag:$0x1] =	stream.indirect.gather [hbm4b:s2+s15], $0x80, s13, s15, $0xb8;
	[tilespmem:$0x10A80] =	vst v63  }
0x30: {  	_ = 	snop  }
0x31: {  	[tilespmem:s0], [sflag:$0x2] =	stream.indirect.gather [hbm4b:s1+s15], $0x80, s15, s15, $0xb8;
	[tilespmem:$0x10A80] =	vst v63  }
0x32: {  	_ = 	snop  }
0x33: {  	[tilespmem:s6], [sflag:$0x2] =	stream.indirect.gather [hbm4b:s2+s15], $0x80, s17, s15, $0xb8;
	[tilespmem:$0x10A80] =	vst v63  }
0x34: {  	_ =	swait.ge [sflag:s4], $0x4000  }
0x35: {  	[sflag:s4] =	ssyncset.done $0x0  }
0x36: {  	[sflag:s4] =	ssyncadd.s32 $0xFFFFC000  }
0x37: {  	_ =	swait.ge [sflag:s4], $0x4000  }
0x38: {  	s20 =	simm.s32 $0x8900;
	[sflag:s4] =	ssyncset.done $0x0  }
0x39: {  	s22 =	simm.s32 $0x900;
	s24 =	simm.s32 $0x0;
	[sflag:s4] =	ssyncadd.s32 $0xFFFFC000  }
.LBB2_2:
0x3a: {  	v4 =	vld [tilespmem:s22+$0x70]  }
0x3b: {  	v5 =	vld [tilespmem:s20+$0x70]  }
0x3c: {  	v1 =	vld [tilespmem:s22+$0x60]  }
0x3d: {  	v3 =	vld [tilespmem:s20+$0x60]  }
0x3e: {  	v2 =	vld [tilespmem:s22+$0x50]  }
0x3f: {  	v6 =	vld [tilespmem:s20+$0x50]  }
0x40: {  	v7 =	vld [tilespmem:s22+$0x40]  }
0x41: {  	v8 =	vld [tilespmem:s20+$0x40]  }
0x42: {  	v9 =	vld [tilespmem:s22+$0x30]  }
0x43: {  	v10 =	vld [tilespmem:s20+$0x30]  }
0x44: {  	v11 =	vld [tilespmem:s22+$0x20]  }
0x45: {  	v12 =	vld [tilespmem:s20+$0x20]  }
0x46: {  	v13 =	vld [tilespmem:s22+$0x0]  }
0x47: {  	v14 =	vld [tilespmem:s20+$0x0]  }
0x48: {  	v15 =	vld [tilespmem:s22+$0x10]  }
0x49: {  	v16 =	vld [tilespmem:s20+$0x10]  }
0x4a: {  	v17 =	vld [tilespmem:s22+$0xFFFFFF80]  }
0x4b: {  	v18 =	vld [tilespmem:s20+$0xFFFFFF80]  }
0x4c: {  	v19 =	vld [tilespmem:s22+$0xFFFFFF90]  }
0x4d: {  	v20 =	vld [tilespmem:s20+$0xFFFFFF90]  }
0x4e: {  	v21 =	vld [tilespmem:s22+$0xFFFFFFA0]  }
0x4f: {  	v22 =	vld [tilespmem:s20+$0xFFFFFFA0]  }
0x50: {  	v23 =	vld [tilespmem:s22+$0xFFFFFFB0]  }
0x51: {  	v13 =	vmul.f32 v14, v13;
	v14 =	vmul.f32 v16, v15;
	v15 =	vld [tilespmem:s20+$0xFFFFFFB0]  }
0x52: {  	v16 =	vmul.f32 v18, v17;
	v17 =	vmul.f32 v20, v19;
	v18 =	vld [tilespmem:s22+$0xFFFFFFC0]  }
0x53: {  	v11 =	vmul.f32 v12, v11;
	v12 =	vld [tilespmem:s20+$0xFFFFFFC0];
	v13 =	vadd.f32 v14, v13  }
0x54: {  	v9 =	vmul.f32 v10, v9;
	v10 =	vld [tilespmem:s20+$0xFFFFFFD0];
	v14 =	vadd.f32 v17, v16;
	v16 =	vmul.f32 v22, v21  }
0x55: {  	v17 =	vld [tilespmem:s22+$0xFFFFFFD0];
	v11 =	vadd.f32 v11, v13  }
0x56: {  	v7 =	vmul.f32 v8, v7;
	v8 =	vld [tilespmem:s20+$0xFFFFFFE0];
	v13 =	vadd.f32 v16, v14;
	v14 =	vmul.f32 v15, v23  }
0x57: {  	v15 =	vld [tilespmem:s22+$0xFFFFFFE0];
	v9 =	vadd.f32 v9, v11  }
0x58: {  	v12 =	vmul.f32 v12, v18;
	v11 =	vadd.f32 v14, v13;
	v13 =	vld [tilespmem:s22+$0xFFFFFFF0]  }
0x59: {  	s29 =	sadd.s32 $0x100, s20;
	v6 =	vmul.f32 v6, v2;
	v7 =	vadd.f32 v7, v9;
	v9 =	vld [tilespmem:s20+$0xFFFFFFF0]  }
0x5a: {  	v24 =	vld [tilespmem:s29+$0x10];
	v10 =	vmul.f32 v10, v17;
	v11 =	vadd.f32 v12, v11  }
0x5b: {  	s26 =	sadd.s32 $0x100, s22;
	v25 =	vld [tilespmem:s29+$0xFFFFFF90];
	v6 =	vadd.f32 v6, v7;
	v7 =	vmul.f32 v3, v1  }
0x5c: {  	v2 =	vld [tilespmem:s26+$0x70];
	v8 =	vmul.f32 v8, v15;
	v10 =	vadd.f32 v10, v11  }
0x5d: {  	v4 =	vmul.f32 v5, v4;
	v5 =	vld [tilespmem:s29+$0x60];
	v7 =	vadd.f32 v7, v6  }
0x5e: {  	v19 =	vld [tilespmem:s26+$0x0];
	v10 =	vadd.f32 v8, v10;
	v9 =	vmul.f32 v9, v13  }
0x5f: {  	v20 =	vld [tilespmem:s29+$0x0];
	v4 =	vadd.f32 v4, v7  }
0x60: {  	v22 =	vld [tilespmem:s26+$0x10];
	v11 =	vadd.f32 v9, v10  }
0x61: {  	v21 =	vld [tilespmem:s29+$0xFFFFFF80];
	(xrf2) =	vadd.scan.msk.f32 $0xffff, v4  }
0x62: {  	v18 =	vld [tilespmem:s26+$0xFFFFFF80];
	(xrf2) =	vadd.scan.msk.f32 $0xffff, v11  }
0x63: {  	v23 =	vld [tilespmem:s26+$0xFFFFFF90]  }
0x64: {  	v14 =	vld [tilespmem:s29+$0x20]  }
0x65: {  	v1 =	vld [tilespmem:s29+$0x70]  }
0x66: {  	v3 =	vld [tilespmem:s26+$0x60]  }
0x67: {  	v6 =	vld [tilespmem:s26+$0x50]  }
0x68: {  	v8 =	vld [tilespmem:s26+$0x40]  }
0x69: {  	v13 =	vld [tilespmem:s26+$0x20]  }
0x6a: {  	v7 =	vld [tilespmem:s29+$0x50]  }
0x6b: {  	s23 =	simm.s32 $0x0;
	v9 =	vld [tilespmem:s29+$0x40];
	v12, _, _ =	vpop (xrf2)  }
0x6c: {  	s25 =	simm.s32 $0x1;
	v16 =	vmov s23;
	v10 =	vld [tilespmem:s26+$0x30];
	v15, _, _ =	vpop (xrf2)  }
0x6d: {  	s17 =	sshll.u32 s24, $0x4;
	s19 =	simm.s32 $0x2;
	s21 =	simm.s32 $0x4;
	v17 =	vmov s25;
	v4 =	vimm.f32 $0.0e+00;
	v11 =	vld [tilespmem:s29+$0x30];
	v15 =	vbroadcast v15, $0xF  }
.LBB2_3:
0x6e: {  	p0 =	slt.u32 s21, $0xE;
	v26 =	vld [tilespmem:s26+$0xFFFFFFA0];
	vm0 =	veq.s32 v16, v0;
	vm1 =	veq.s32 v17, v0;
	v12 =	vbroadcast v12, $0xF  }
0x6f: {  	v17 =	vmul.f32 v20, v19;
	v19 =	vmul.f32 v24, v22;
	v16 =	vld [tilespmem:s29+$0xFFFFFFA0];
	v4 =	vsel vm0, v15, v4  }
0x70: {  	v15 =	vld [tilespmem:s26+$0xFFFFFFB0];
	v4 =	vsel vm1, v12, v4  }
0x71: {  	v13 =	vmul.f32 v14, v13;
	v17 =	vadd.f32 v19, v17;
	v12 =	vld [tilespmem:s29+$0xFFFFFFB0]  }
0x72: {  	v14 =	vmul.f32 v21, v18;
	v18 =	vmul.f32 v25, v23;
	v19 =	vld [tilespmem:s26+$0xFFFFFFC0]  }
0x73: {  	v10 =	vmul.f32 v11, v10;
	v13 =	vadd.f32 v13, v17;
	v20 =	vld [tilespmem:s29+$0xFFFFFFC0]  }
0x74: {  	v11 =	vadd.f32 v18, v14;
	v14 =	vmul.f32 v16, v26;
	v16 =	vld [tilespmem:s26+$0xFFFFFFD0]  }
0x75: {  	v8 =	vmul.f32 v9, v8;
	v10 =	vadd.f32 v10, v13;
	v17 =	vld [tilespmem:s29+$0xFFFFFFD0]  }
0x76: {  	v9 =	vadd.f32 v14, v11;
	v11 =	vmul.f32 v12, v15;
	v12 =	vld [tilespmem:s26+$0xFFFFFFE0]  }
0x77: {  	v6 =	vmul.f32 v7, v6;
	v8 =	vadd.f32 v8, v10;
	v13 =	vld [tilespmem:s29+$0xFFFFFFE0]  }
0x78: {  	v7 =	vadd.f32 v11, v9;
	v9 =	vmul.f32 v20, v19;
	v10 =	vld [tilespmem:s26+$0xFFFFFFF0]  }
0x79: {  	v3 =	vmul.f32 v5, v3;
	v6 =	vadd.f32 v6, v8;
	s26 =	sadd.s32 $0x100, s26;
	v11 =	vld [tilespmem:s29+$0xFFFFFFF0]  }
0x7a: {  	s29 =	sadd.s32 $0x100, s29;
	v8 =	vld [tilespmem:s26+$0x70];
	v5 =	vadd.f32 v9, v7;
	v7 =	vmul.f32 v17, v16  }
0x7b: {  	v2 =	vmul.f32 v1, v2;
	v6 =	vadd.f32 v3, v6;
	v1 =	vld [tilespmem:s29+$0x70]  }
0x7c: {  	v3 =	vld [tilespmem:s26+$0x60];
	v7 =	vadd.f32 v7, v5;
	v9 =	vmul.f32 v13, v12  }
0x7d: {  	v12 =	vadd.f32 v2, v6;
	v5 =	vld [tilespmem:s29+$0x60]  }
0x7e: {  	v6 =	vld [tilespmem:s26+$0x50];
	v9 =	vadd.f32 v9, v7;
	v10 =	vmul.f32 v11, v10  }
0x7f: {  	v7 =	vld [tilespmem:s29+$0x50];
	(xrf2) =	vadd.scan.msk.f32 $0xffff, v12;
	v2 =	vmov v8  }
0x80: {  	v8 =	vld [tilespmem:s26+$0x40];
	v11 =	vadd.f32 v10, v9  }
0x81: {  	v9 =	vld [tilespmem:s29+$0x40]  }
0x82: {  	v10 =	vld [tilespmem:s26+$0x30];
	(xrf2) =	vadd.scan.msk.f32 $0xffff, v11  }
0x83: {  	v11 =	vld [tilespmem:s29+$0x30]  }
0x84: {  	v13 =	vld [tilespmem:s26+$0x20]  }
0x85: {  	v14 =	vld [tilespmem:s29+$0x20]  }
0x86: {  	v19 =	vld [tilespmem:s26+$0x0]  }
0x87: {  	v20 =	vld [tilespmem:s29+$0x0]  }
0x88: {  	v22 =	vld [tilespmem:s26+$0x10]  }
.Ltmp0:
0x89: {  	v24 =	vld [tilespmem:s29+$0x10];
	v12, _, _ =	vpop (xrf2);
	(pc) =	sbr.rel @p0 .LBB2_3-.Ltmp0, $4  }
0x8a: {  	v18 =	vld [tilespmem:s26+$0xFFFFFF80]  }
0x8b: {  	v21 =	vld [tilespmem:s29+$0xFFFFFF80]  }
0x8c: {  	s23 =	sadd.s32 $0x1, s19;
	v23 =	vld [tilespmem:s26+$0xFFFFFF90];
	v15, _, _ =	vpop (xrf2)  }
0x8d: {  	v16 =	vmov s19;
	v17 =	vmov s23;
	s19 =	smov.u32 s21;
	s21 =	sadd.s32 $0x2, s21;
	v25 =	vld [tilespmem:s29+$0xFFFFFF90];
	v15 =	vbroadcast v15, $0xF  }
0x8e: {  	v26 =	vld [tilespmem:s26+$0xFFFFFFA0]  }
0x8f: {  	v27 =	vld [tilespmem:s29+$0xFFFFFFA0]  }
0x90: {  	v28 =	vld [tilespmem:s26+$0xFFFFFFB0]  }
0x91: {  	v19 =	vmul.f32 v20, v19;
	v44 =	vmul.f32 v24, v22;
	v45 =	vld [tilespmem:s29+$0xFFFFFFB0]  }
0x92: {  	v47 =	vld [tilespmem:s26+$0xFFFFFFC0];
	v18 =	vmul.f32 v21, v18;
	v46 =	vmul.f32 v25, v23  }
0x93: {  	v13 =	vmul.f32 v14, v13;
	v48 =	vld [tilespmem:s29+$0xFFFFFFC0];
	v19 =	vadd.f32 v44, v19  }
0x94: {  	v50 =	vld [tilespmem:s26+$0xFFFFFFD0];
	v49 =	vmul.f32 v27, v26;
	v18 =	vadd.f32 v46, v18  }
0x95: {  	v10 =	vmul.f32 v11, v10;
	v51 =	vld [tilespmem:s29+$0xFFFFFFD0];
	v13 =	vadd.f32 v13, v19  }
0x96: {  	v53 =	vld [tilespmem:s26+$0xFFFFFFE0];
	v52 =	vmul.f32 v45, v28;
	v18 =	vadd.f32 v49, v18  }
0x97: {  	v8 =	vmul.f32 v9, v8;
	v54 =	vld [tilespmem:s29+$0xFFFFFFE0];
	v10 =	vadd.f32 v10, v13  }
0x98: {  	v56 =	vld [tilespmem:s26+$0xFFFFFFF0];
	v14 =	vmul.f32 v48, v47;
	v55 =	vadd.f32 v52, v18  }
0x99: {  	v6 =	vmul.f32 v7, v6;
	v57 =	vld [tilespmem:s29+$0xFFFFFFF0];
	v8 =	vadd.f32 v8, v10  }
0x9a: {  	v11 =	vmul.f32 v51, v50;
	v58 =	vadd.f32 v14, v55  }
0x9b: {  	v3 =	vmul.f32 v5, v3;
	v6 =	vadd.f32 v6, v8  }
0x9c: {  	v60 =	vmul.f32 v54, v53;
	v59 =	vadd.f32 v11, v58  }
0x9d: {  	v1 =	vmul.f32 v1, v2;
	v3 =	vadd.f32 v3, v6  }
0x9e: {  	v61 =	vmul.f32 v57, v56;
	v2 =	vadd.f32 v60, v59  }
0x9f: {  	v1 =	vadd.f32 v1, v3  }
0xa0: {  	v2 =	vadd.f32 v61, v2  }
0xa1: {  	(xrf2) =	vadd.scan.msk.f32 $0xffff, v1  }
0xa2: {  	(xrf2) =	vadd.scan.msk.f32 $0xffff, v2;
	_ =	sdelay $0x8  }
0xa3: {  	vm0 =	veq.s32 v16, v0;
	s24 =	sadd.s32 $0x1, s24;
	v1 =	vbroadcast v12, $0xF;
	v2, _, _ =	vpop (xrf2)  }
0xa4: {  	vm1 =	veq.s32 v17, v0;
	p0 =	sne.s32 s24, $0x8;
	v3 =	vsel vm0, v15, v4;
	v62, _, _ =	vpop (xrf2)  }
.Ltmp1:
0xa5: {  	s21 =	sadd.s32 $0x1, s19;
	v1 =	vsel vm1, v1, v3;
	v3 =	vmov s19;
	v4 =	vbroadcast v62, $0xF;
	(pc) =	sbr.rel @p0 .LBB2_2-.Ltmp1, $4  }
0xa6: {  	v63 =	vmov s21;
	vm14 =	veq.s32 v3, v0;
	v2 =	vbroadcast v2, $0xF  }
0xa7: {  	vm15 =	veq.s32 v63, v0;
	v1 =	vsel vm14, v4, v1  }
0xa8: {  	v1 =	vsel vm15, v2, v1  }
0xa9: {  	s20 =	sadd.s32 $0x800, s20;
	s22 =	sadd.s32 $0x800, s22;
	[tilespmem:s17+$0x10880] =	vst v1  }
0xaa: {  	s17 =	simm.s32 $0x100  }
0xab: {  	[tilespmem:s30], [sflag:$0x1] =	stream.indirect.gather [hbm4b:s1+s15], $0x80, s17, s15, $0xb8;
	[tilespmem:$0x10A80] =	vst v63  }
0xac: {  	s29 =	simm.s32 $0x300  }
0xad: {  	[tilespmem:s31], [sflag:$0x1] =	stream.indirect.gather [hbm4b:s2+s15], $0x80, s29, s15, $0xb8;
	[tilespmem:$0x10A80] =	vst v63  }
0xae: {  	_ =	swait.ge [sflag:s14], $0x4000  }
0xaf: {  	[sflag:s14] =	ssyncset.done $0x0  }
0xb0: {  	[sflag:s14] =	ssyncadd.s32 $0xFFFFC000  }
0xb1: {  	_ =	swait.ge [sflag:s14], $0x4000  }
0xb2: {  	s20 =	simm.s32 $0x0;
	s22 =	simm.s32 $0xC900;
	[sflag:s14] =	ssyncset.done $0x0  }
0xb3: {  	s24 =	simm.s32 $0x4900;
	s26 =	simm.s32 $0x0;
	[sflag:s14] =	ssyncadd.s32 $0xFFFFC000  }
.LBB2_6:
0xb4: {  	v4 =	vld [tilespmem:s24+$0x70]  }
0xb5: {  	v5 =	vld [tilespmem:s22+$0x70]  }
0xb6: {  	v1 =	vld [tilespmem:s24+$0x60]  }
0xb7: {  	v3 =	vld [tilespmem:s22+$0x60]  }
0xb8: {  	v2 =	vld [tilespmem:s24+$0x50]  }
0xb9: {  	v6 =	vld [tilespmem:s22+$0x50]  }
0xba: {  	v7 =	vld [tilespmem:s24+$0x40]  }
0xbb: {  	v8 =	vld [tilespmem:s22+$0x40]  }
0xbc: {  	v9 =	vld [tilespmem:s24+$0x30]  }
0xbd: {  	v10 =	vld [tilespmem:s22+$0x30]  }
0xbe: {  	v11 =	vld [tilespmem:s24+$0x20]  }
0xbf: {  	v12 =	vld [tilespmem:s22+$0x20]  }
0xc0: {  	v13 =	vld [tilespmem:s24+$0x0]  }
0xc1: {  	v14 =	vld [tilespmem:s22+$0x0]  }
0xc2: {  	v15 =	vld [tilespmem:s24+$0x10]  }
0xc3: {  	v16 =	vld [tilespmem:s22+$0x10]  }
0xc4: {  	v17 =	vld [tilespmem:s24+$0xFFFFFF80]  }
0xc5: {  	v18 =	vld [tilespmem:s22+$0xFFFFFF80]  }
0xc6: {  	v19 =	vld [tilespmem:s24+$0xFFFFFF90]  }
0xc7: {  	v20 =	vld [tilespmem:s22+$0xFFFFFF90]  }
0xc8: {  	v21 =	vld [tilespmem:s24+$0xFFFFFFA0]  }
0xc9: {  	v22 =	vld [tilespmem:s22+$0xFFFFFFA0]  }
0xca: {  	v23 =	vld [tilespmem:s24+$0xFFFFFFB0]  }
0xcb: {  	v13 =	vmul.f32 v14, v13;
	v14 =	vmul.f32 v16, v15;
	v15 =	vld [tilespmem:s22+$0xFFFFFFB0]  }
0xcc: {  	v16 =	vmul.f32 v18, v17;
	v17 =	vmul.f32 v20, v19;
	v18 =	vld [tilespmem:s24+$0xFFFFFFC0]  }
0xcd: {  	v11 =	vmul.f32 v12, v11;
	v12 =	vld [tilespmem:s22+$0xFFFFFFC0];
	v13 =	vadd.f32 v14, v13  }
0xce: {  	v9 =	vmul.f32 v10, v9;
	v10 =	vld [tilespmem:s22+$0xFFFFFFD0];
	v14 =	vadd.f32 v17, v16;
	v16 =	vmul.f32 v22, v21  }
0xcf: {  	v17 =	vld [tilespmem:s24+$0xFFFFFFD0];
	v11 =	vadd.f32 v11, v13  }
0xd0: {  	v7 =	vmul.f32 v8, v7;
	v8 =	vld [tilespmem:s22+$0xFFFFFFE0];
	v13 =	vadd.f32 v16, v14;
	v14 =	vmul.f32 v15, v23  }
0xd1: {  	v15 =	vld [tilespmem:s24+$0xFFFFFFE0];
	v9 =	vadd.f32 v9, v11  }
0xd2: {  	v12 =	vmul.f32 v12, v18;
	v11 =	vadd.f32 v14, v13;
	v13 =	vld [tilespmem:s24+$0xFFFFFFF0]  }
0xd3: {  	s17 =	sadd.s32 $0x100, s22;
	v6 =	vmul.f32 v6, v2;
	v7 =	vadd.f32 v7, v9;
	v9 =	vld [tilespmem:s22+$0xFFFFFFF0]  }
0xd4: {  	v24 =	vld [tilespmem:s17+$0x10];
	v10 =	vmul.f32 v10, v17;
	v11 =	vadd.f32 v12, v11  }
0xd5: {  	s29 =	sadd.s32 $0x100, s24;
	v25 =	vld [tilespmem:s17+$0xFFFFFF90];
	v6 =	vadd.f32 v6, v7;
	v7 =	vmul.f32 v3, v1  }
0xd6: {  	v2 =	vld [tilespmem:s29+$0x70];
	v8 =	vmul.f32 v8, v15;
	v10 =	vadd.f32 v10, v11  }
0xd7: {  	v4 =	vmul.f32 v5, v4;
	v5 =	vld [tilespmem:s17+$0x60];
	v7 =	vadd.f32 v7, v6  }
0xd8: {  	v19 =	vld [tilespmem:s29+$0x0];
	v10 =	vadd.f32 v8, v10;
	v9 =	vmul.f32 v9, v13  }
0xd9: {  	v20 =	vld [tilespmem:s17+$0x0];
	v4 =	vadd.f32 v4, v7  }
0xda: {  	v22 =	vld [tilespmem:s29+$0x10];
	v11 =	vadd.f32 v9, v10  }
0xdb: {  	v21 =	vld [tilespmem:s17+$0xFFFFFF80];
	(xrf2) =	vadd.scan.msk.f32 $0xffff, v4  }
0xdc: {  	v18 =	vld [tilespmem:s29+$0xFFFFFF80];
	(xrf2) =	vadd.scan.msk.f32 $0xffff, v11  }
0xdd: {  	v23 =	vld [tilespmem:s29+$0xFFFFFF90]  }
0xde: {  	v14 =	vld [tilespmem:s17+$0x20]  }
0xdf: {  	v1 =	vld [tilespmem:s17+$0x70]  }
0xe0: {  	v3 =	vld [tilespmem:s29+$0x60]  }
0xe1: {  	v6 =	vld [tilespmem:s29+$0x50]  }
0xe2: {  	v8 =	vld [tilespmem:s29+$0x40]  }
0xe3: {  	v13 =	vld [tilespmem:s29+$0x20]  }
0xe4: {  	v7 =	vld [tilespmem:s17+$0x50]  }
0xe5: {  	v9 =	vld [tilespmem:s17+$0x40];
	v12, _, _ =	vpop (xrf2)  }
0xe6: {  	s25 =	simm.s32 $0x1;
	v16 =	vmov s20;
	v10 =	vld [tilespmem:s29+$0x30];
	v15, _, _ =	vpop (xrf2)  }
0xe7: {  	s19 =	sshll.u32 s26, $0x4;
	s21 =	simm.s32 $0x2;
	s23 =	simm.s32 $0x4;
	v17 =	vmov s25;
	v4 =	vimm.f32 $0.0e+00;
	v11 =	vld [tilespmem:s17+$0x30];
	v15 =	vbroadcast v15, $0xF  }
.LBB2_7:
0xe8: {  	p0 =	slt.u32 s23, $0xE;
	v26 =	vld [tilespmem:s29+$0xFFFFFFA0];
	vm0 =	veq.s32 v16, v0;
	vm1 =	veq.s32 v17, v0;
	v12 =	vbroadcast v12, $0xF  }
0xe9: {  	v17 =	vmul.f32 v20, v19;
	v19 =	vmul.f32 v24, v22;
	v16 =	vld [tilespmem:s17+$0xFFFFFFA0];
	v4 =	vsel vm0, v15, v4  }
0xea: {  	v15 =	vld [tilespmem:s29+$0xFFFFFFB0];
	v4 =	vsel vm1, v12, v4  }
0xeb: {  	v13 =	vmul.f32 v14, v13;
	v17 =	vadd.f32 v19, v17;
	v12 =	vld [tilespmem:s17+$0xFFFFFFB0]  }
0xec: {  	v14 =	vmul.f32 v21, v18;
	v18 =	vmul.f32 v25, v23;
	v19 =	vld [tilespmem:s29+$0xFFFFFFC0]  }
0xed: {  	v10 =	vmul.f32 v11, v10;
	v13 =	vadd.f32 v13, v17;
	v20 =	vld [tilespmem:s17+$0xFFFFFFC0]  }
0xee: {  	v11 =	vadd.f32 v18, v14;
	v14 =	vmul.f32 v16, v26;
	v16 =	vld [tilespmem:s29+$0xFFFFFFD0]  }
0xef: {  	v8 =	vmul.f32 v9, v8;
	v10 =	vadd.f32 v10, v13;
	v17 =	vld [tilespmem:s17+$0xFFFFFFD0]  }
0xf0: {  	v9 =	vadd.f32 v14, v11;
	v11 =	vmul.f32 v12, v15;
	v12 =	vld [tilespmem:s29+$0xFFFFFFE0]  }
0xf1: {  	v6 =	vmul.f32 v7, v6;
	v8 =	vadd.f32 v8, v10;
	v13 =	vld [tilespmem:s17+$0xFFFFFFE0]  }
0xf2: {  	v7 =	vadd.f32 v11, v9;
	v9 =	vmul.f32 v20, v19;
	v10 =	vld [tilespmem:s29+$0xFFFFFFF0]  }
0xf3: {  	v3 =	vmul.f32 v5, v3;
	v6 =	vadd.f32 v6, v8;
	s29 =	sadd.s32 $0x100, s29;
	v11 =	vld [tilespmem:s17+$0xFFFFFFF0]  }
0xf4: {  	s17 =	sadd.s32 $0x100, s17;
	v8 =	vld [tilespmem:s29+$0x70];
	v5 =	vadd.f32 v9, v7;
	v7 =	vmul.f32 v17, v16  }
0xf5: {  	v2 =	vmul.f32 v1, v2;
	v6 =	vadd.f32 v3, v6;
	v1 =	vld [tilespmem:s17+$0x70]  }
0xf6: {  	v3 =	vld [tilespmem:s29+$0x60];
	v7 =	vadd.f32 v7, v5;
	v9 =	vmul.f32 v13, v12  }
0xf7: {  	v12 =	vadd.f32 v2, v6;
	v5 =	vld [tilespmem:s17+$0x60]  }
0xf8: {  	v6 =	vld [tilespmem:s29+$0x50];
	v9 =	vadd.f32 v9, v7;
	v10 =	vmul.f32 v11, v10  }
0xf9: {  	v7 =	vld [tilespmem:s17+$0x50];
	(xrf2) =	vadd.scan.msk.f32 $0xffff, v12;
	v2 =	vmov v8  }
0xfa: {  	v8 =	vld [tilespmem:s29+$0x40];
	v11 =	vadd.f32 v10, v9  }
0xfb: {  	v9 =	vld [tilespmem:s17+$0x40]  }
0xfc: {  	v10 =	vld [tilespmem:s29+$0x30];
	(xrf2) =	vadd.scan.msk.f32 $0xffff, v11  }
0xfd: {  	v11 =	vld [tilespmem:s17+$0x30]  }
0xfe: {  	v13 =	vld [tilespmem:s29+$0x20]  }
0xff: {  	v14 =	vld [tilespmem:s17+$0x20]  }
0x100: {  	v19 =	vld [tilespmem:s29+$0x0]  }
0x101: {  	v20 =	vld [tilespmem:s17+$0x0]  }
0x102: {  	v22 =	vld [tilespmem:s29+$0x10]  }
.Ltmp2:
0x103: {  	v24 =	vld [tilespmem:s17+$0x10];
	v12, _, _ =	vpop (xrf2);
	(pc) =	sbr.rel @p0 .LBB2_7-.Ltmp2, $4  }
0x104: {  	v18 =	vld [tilespmem:s29+$0xFFFFFF80]  }
0x105: {  	v21 =	vld [tilespmem:s17+$0xFFFFFF80]  }
0x106: {  	s25 =	sadd.s32 $0x1, s21;
	v23 =	vld [tilespmem:s29+$0xFFFFFF90];
	v15, _, _ =	vpop (xrf2)  }
0x107: {  	v16 =	vmov s21;
	v17 =	vmov s25;
	s21 =	smov.u32 s23;
	s23 =	sadd.s32 $0x2, s23;
	v25 =	vld [tilespmem:s17+$0xFFFFFF90];
	v15 =	vbroadcast v15, $0xF  }
0x108: {  	v26 =	vld [tilespmem:s29+$0xFFFFFFA0]  }
0x109: {  	v27 =	vld [tilespmem:s17+$0xFFFFFFA0]  }
0x10a: {  	v28 =	vld [tilespmem:s29+$0xFFFFFFB0]  }
0x10b: {  	v19 =	vmul.f32 v20, v19;
	v44 =	vmul.f32 v24, v22;
	v45 =	vld [tilespmem:s17+$0xFFFFFFB0]  }
0x10c: {  	v47 =	vld [tilespmem:s29+$0xFFFFFFC0];
	v18 =	vmul.f32 v21, v18;
	v46 =	vmul.f32 v25, v23  }
0x10d: {  	v13 =	vmul.f32 v14, v13;
	v48 =	vld [tilespmem:s17+$0xFFFFFFC0];
	v19 =	vadd.f32 v44, v19  }
0x10e: {  	v50 =	vld [tilespmem:s29+$0xFFFFFFD0];
	v49 =	vmul.f32 v27, v26;
	v18 =	vadd.f32 v46, v18  }
0x10f: {  	v10 =	vmul.f32 v11, v10;
	v51 =	vld [tilespmem:s17+$0xFFFFFFD0];
	v13 =	vadd.f32 v13, v19  }
0x110: {  	v53 =	vld [tilespmem:s29+$0xFFFFFFE0];
	v52 =	vmul.f32 v45, v28;
	v18 =	vadd.f32 v49, v18  }
0x111: {  	v8 =	vmul.f32 v9, v8;
	v54 =	vld [tilespmem:s17+$0xFFFFFFE0];
	v10 =	vadd.f32 v10, v13  }
0x112: {  	v56 =	vld [tilespmem:s29+$0xFFFFFFF0];
	v14 =	vmul.f32 v48, v47;
	v55 =	vadd.f32 v52, v18  }
0x113: {  	v6 =	vmul.f32 v7, v6;
	v57 =	vld [tilespmem:s17+$0xFFFFFFF0];
	v8 =	vadd.f32 v8, v10  }
0x114: {  	v11 =	vmul.f32 v51, v50;
	v58 =	vadd.f32 v14, v55  }
0x115: {  	v3 =	vmul.f32 v5, v3;
	v6 =	vadd.f32 v6, v8  }
0x116: {  	v60 =	vmul.f32 v54, v53;
	v59 =	vadd.f32 v11, v58  }
0x117: {  	v1 =	vmul.f32 v1, v2;
	v3 =	vadd.f32 v3, v6  }
0x118: {  	v61 =	vmul.f32 v57, v56;
	v2 =	vadd.f32 v60, v59  }
0x119: {  	v1 =	vadd.f32 v1, v3  }
0x11a: {  	v2 =	vadd.f32 v61, v2  }
0x11b: {  	(xrf2) =	vadd.scan.msk.f32 $0xffff, v1  }
0x11c: {  	(xrf2) =	vadd.scan.msk.f32 $0xffff, v2;
	_ =	sdelay $0x8  }
0x11d: {  	vm0 =	veq.s32 v16, v0;
	s26 =	sadd.s32 $0x1, s26;
	v1 =	vbroadcast v12, $0xF;
	v2, _, _ =	vpop (xrf2)  }
0x11e: {  	vm1 =	veq.s32 v17, v0;
	p0 =	sne.s32 s26, $0x8;
	v3 =	vsel vm0, v15, v4;
	v62, _, _ =	vpop (xrf2)  }
.Ltmp3:
0x11f: {  	s29 =	sadd.s32 $0x1, s21;
	v1 =	vsel vm1, v1, v3;
	v3 =	vmov s21;
	v4 =	vbroadcast v62, $0xF;
	(pc) =	sbr.rel @p0 .LBB2_6-.Ltmp3, $4  }
0x120: {  	v63 =	vmov s29;
	vm14 =	veq.s32 v3, v0;
	v2 =	vbroadcast v2, $0xF  }
0x121: {  	vm15 =	veq.s32 v63, v0;
	v1 =	vsel vm14, v4, v1  }
0x122: {  	v1 =	vsel vm15, v2, v1  }
0x123: {  	s22 =	sadd.s32 $0x800, s22;
	s24 =	sadd.s32 $0x800, s24;
	[tilespmem:s19+$0x10900] =	vst v1  }
0x124: {  	s17 =	simm.s32 $0x180  }
0x125: {  	[tilespmem:s0], [sflag:$0x2] =	stream.indirect.gather [hbm4b:s1+s15], $0x80, s17, s15, $0xb8;
	[tilespmem:$0x10A80] =	vst v63  }
0x126: {  	_ = 	snop  }
0x127: {  	[tilespmem:s6], [sflag:$0x2] =	stream.indirect.gather [hbm4b:s2+s15], $0x80, s28, s15, $0xb8;
	[tilespmem:$0x10A80] =	vst v63  }
0x128: {  	_ =	swait.ge [sflag:s4], $0x4000  }
0x129: {  	[sflag:s4] =	ssyncset.done $0x0  }
0x12a: {  	[sflag:s4] =	ssyncadd.s32 $0xFFFFC000  }
0x12b: {  	_ =	swait.ge [sflag:s4], $0x4000  }
0x12c: {  	s20 =	simm.s32 $0x0;
	s22 =	simm.s32 $0x8900;
	[sflag:s4] =	ssyncset.done $0x0  }
0x12d: {  	s24 =	simm.s32 $0x900;
	s26 =	simm.s32 $0x0;
	[sflag:s4] =	ssyncadd.s32 $0xFFFFC000  }
.LBB2_10:
0x12e: {  	v4 =	vld [tilespmem:s24+$0x70]  }
0x12f: {  	v5 =	vld [tilespmem:s22+$0x70]  }
0x130: {  	v1 =	vld [tilespmem:s24+$0x60]  }
0x131: {  	v3 =	vld [tilespmem:s22+$0x60]  }
0x132: {  	v2 =	vld [tilespmem:s24+$0x50]  }
0x133: {  	v6 =	vld [tilespmem:s22+$0x50]  }
0x134: {  	v7 =	vld [tilespmem:s24+$0x40]  }
0x135: {  	v8 =	vld [tilespmem:s22+$0x40]  }
0x136: {  	v9 =	vld [tilespmem:s24+$0x30]  }
0x137: {  	v10 =	vld [tilespmem:s22+$0x30]  }
0x138: {  	v11 =	vld [tilespmem:s24+$0x20]  }
0x139: {  	v12 =	vld [tilespmem:s22+$0x20]  }
0x13a: {  	v13 =	vld [tilespmem:s24+$0x0]  }
0x13b: {  	v14 =	vld [tilespmem:s22+$0x0]  }
0x13c: {  	v15 =	vld [tilespmem:s24+$0x10]  }
0x13d: {  	v16 =	vld [tilespmem:s22+$0x10]  }
0x13e: {  	v17 =	vld [tilespmem:s24+$0xFFFFFF80]  }
0x13f: {  	v18 =	vld [tilespmem:s22+$0xFFFFFF80]  }
0x140: {  	v19 =	vld [tilespmem:s24+$0xFFFFFF90]  }
0x141: {  	v20 =	vld [tilespmem:s22+$0xFFFFFF90]  }
0x142: {  	v21 =	vld [tilespmem:s24+$0xFFFFFFA0]  }
0x143: {  	v22 =	vld [tilespmem:s22+$0xFFFFFFA0]  }
0x144: {  	v23 =	vld [tilespmem:s24+$0xFFFFFFB0]  }
0x145: {  	v13 =	vmul.f32 v14, v13;
	v14 =	vmul.f32 v16, v15;
	v15 =	vld [tilespmem:s22+$0xFFFFFFB0]  }
0x146: {  	v16 =	vmul.f32 v18, v17;
	v17 =	vmul.f32 v20, v19;
	v18 =	vld [tilespmem:s24+$0xFFFFFFC0]  }
0x147: {  	v11 =	vmul.f32 v12, v11;
	v12 =	vld [tilespmem:s22+$0xFFFFFFC0];
	v13 =	vadd.f32 v14, v13  }
0x148: {  	v9 =	vmul.f32 v10, v9;
	v10 =	vld [tilespmem:s22+$0xFFFFFFD0];
	v14 =	vadd.f32 v17, v16;
	v16 =	vmul.f32 v22, v21  }
0x149: {  	v17 =	vld [tilespmem:s24+$0xFFFFFFD0];
	v11 =	vadd.f32 v11, v13  }
0x14a: {  	v7 =	vmul.f32 v8, v7;
	v8 =	vld [tilespmem:s22+$0xFFFFFFE0];
	v13 =	vadd.f32 v16, v14;
	v14 =	vmul.f32 v15, v23  }
0x14b: {  	v15 =	vld [tilespmem:s24+$0xFFFFFFE0];
	v9 =	vadd.f32 v9, v11  }
0x14c: {  	v12 =	vmul.f32 v12, v18;
	v11 =	vadd.f32 v14, v13;
	v13 =	vld [tilespmem:s24+$0xFFFFFFF0]  }
0x14d: {  	s17 =	sadd.s32 $0x100, s22;
	v6 =	vmul.f32 v6, v2;
	v7 =	vadd.f32 v7, v9;
	v9 =	vld [tilespmem:s22+$0xFFFFFFF0]  }
0x14e: {  	v24 =	vld [tilespmem:s17+$0x10];
	v10 =	vmul.f32 v10, v17;
	v11 =	vadd.f32 v12, v11  }
0x14f: {  	s29 =	sadd.s32 $0x100, s24;
	v25 =	vld [tilespmem:s17+$0xFFFFFF90];
	v6 =	vadd.f32 v6, v7;
	v7 =	vmul.f32 v3, v1  }
0x150: {  	v2 =	vld [tilespmem:s29+$0x70];
	v8 =	vmul.f32 v8, v15;
	v10 =	vadd.f32 v10, v11  }
0x151: {  	v4 =	vmul.f32 v5, v4;
	v5 =	vld [tilespmem:s17+$0x60];
	v7 =	vadd.f32 v7, v6  }
0x152: {  	v19 =	vld [tilespmem:s29+$0x0];
	v10 =	vadd.f32 v8, v10;
	v9 =	vmul.f32 v9, v13  }
0x153: {  	v20 =	vld [tilespmem:s17+$0x0];
	v4 =	vadd.f32 v4, v7  }
0x154: {  	v22 =	vld [tilespmem:s29+$0x10];
	v11 =	vadd.f32 v9, v10  }
0x155: {  	v21 =	vld [tilespmem:s17+$0xFFFFFF80];
	(xrf2) =	vadd.scan.msk.f32 $0xffff, v4  }
0x156: {  	v18 =	vld [tilespmem:s29+$0xFFFFFF80];
	(xrf2) =	vadd.scan.msk.f32 $0xffff, v11  }
0x157: {  	v23 =	vld [tilespmem:s29+$0xFFFFFF90]  }
0x158: {  	v14 =	vld [tilespmem:s17+$0x20]  }
0x159: {  	v1 =	vld [tilespmem:s17+$0x70]  }
0x15a: {  	v3 =	vld [tilespmem:s29+$0x60]  }
0x15b: {  	v6 =	vld [tilespmem:s29+$0x50]  }
0x15c: {  	v8 =	vld [tilespmem:s29+$0x40]  }
0x15d: {  	v13 =	vld [tilespmem:s29+$0x20]  }
0x15e: {  	v7 =	vld [tilespmem:s17+$0x50]  }
0x15f: {  	v9 =	vld [tilespmem:s17+$0x40];
	v12, _, _ =	vpop (xrf2)  }
0x160: {  	s25 =	simm.s32 $0x1;
	v16 =	vmov s20;
	v10 =	vld [tilespmem:s29+$0x30];
	v15, _, _ =	vpop (xrf2)  }
0x161: {  	s19 =	sshll.u32 s26, $0x4;
	s21 =	simm.s32 $0x2;
	s23 =	simm.s32 $0x4;
	v17 =	vmov s25;
	v4 =	vimm.f32 $0.0e+00;
	v11 =	vld [tilespmem:s17+$0x30];
	v15 =	vbroadcast v15, $0xF  }
.LBB2_11:
0x162: {  	p0 =	slt.u32 s23, $0xE;
	v26 =	vld [tilespmem:s29+$0xFFFFFFA0];
	vm0 =	veq.s32 v16, v0;
	vm1 =	veq.s32 v17, v0;
	v12 =	vbroadcast v12, $0xF  }
0x163: {  	v17 =	vmul.f32 v20, v19;
	v19 =	vmul.f32 v24, v22;
	v16 =	vld [tilespmem:s17+$0xFFFFFFA0];
	v4 =	vsel vm0, v15, v4  }
0x164: {  	v15 =	vld [tilespmem:s29+$0xFFFFFFB0];
	v4 =	vsel vm1, v12, v4  }
0x165: {  	v13 =	vmul.f32 v14, v13;
	v17 =	vadd.f32 v19, v17;
	v12 =	vld [tilespmem:s17+$0xFFFFFFB0]  }
0x166: {  	v14 =	vmul.f32 v21, v18;
	v18 =	vmul.f32 v25, v23;
	v19 =	vld [tilespmem:s29+$0xFFFFFFC0]  }
0x167: {  	v10 =	vmul.f32 v11, v10;
	v13 =	vadd.f32 v13, v17;
	v20 =	vld [tilespmem:s17+$0xFFFFFFC0]  }
0x168: {  	v11 =	vadd.f32 v18, v14;
	v14 =	vmul.f32 v16, v26;
	v16 =	vld [tilespmem:s29+$0xFFFFFFD0]  }
0x169: {  	v8 =	vmul.f32 v9, v8;
	v10 =	vadd.f32 v10, v13;
	v17 =	vld [tilespmem:s17+$0xFFFFFFD0]  }
0x16a: {  	v9 =	vadd.f32 v14, v11;
	v11 =	vmul.f32 v12, v15;
	v12 =	vld [tilespmem:s29+$0xFFFFFFE0]  }
0x16b: {  	v6 =	vmul.f32 v7, v6;
	v8 =	vadd.f32 v8, v10;
	v13 =	vld [tilespmem:s17+$0xFFFFFFE0]  }
0x16c: {  	v7 =	vadd.f32 v11, v9;
	v9 =	vmul.f32 v20, v19;
	v10 =	vld [tilespmem:s29+$0xFFFFFFF0]  }
0x16d: {  	v3 =	vmul.f32 v5, v3;
	v6 =	vadd.f32 v6, v8;
	s29 =	sadd.s32 $0x100, s29;
	v11 =	vld [tilespmem:s17+$0xFFFFFFF0]  }
0x16e: {  	s17 =	sadd.s32 $0x100, s17;
	v8 =	vld [tilespmem:s29+$0x70];
	v5 =	vadd.f32 v9, v7;
	v7 =	vmul.f32 v17, v16  }
0x16f: {  	v2 =	vmul.f32 v1, v2;
	v6 =	vadd.f32 v3, v6;
	v1 =	vld [tilespmem:s17+$0x70]  }
0x170: {  	v3 =	vld [tilespmem:s29+$0x60];
	v7 =	vadd.f32 v7, v5;
	v9 =	vmul.f32 v13, v12  }
0x171: {  	v12 =	vadd.f32 v2, v6;
	v5 =	vld [tilespmem:s17+$0x60]  }
0x172: {  	v6 =	vld [tilespmem:s29+$0x50];
	v9 =	vadd.f32 v9, v7;
	v10 =	vmul.f32 v11, v10  }
0x173: {  	v7 =	vld [tilespmem:s17+$0x50];
	(xrf2) =	vadd.scan.msk.f32 $0xffff, v12;
	v2 =	vmov v8  }
0x174: {  	v8 =	vld [tilespmem:s29+$0x40];
	v11 =	vadd.f32 v10, v9  }
0x175: {  	v9 =	vld [tilespmem:s17+$0x40]  }
0x176: {  	v10 =	vld [tilespmem:s29+$0x30];
	(xrf2) =	vadd.scan.msk.f32 $0xffff, v11  }
0x177: {  	v11 =	vld [tilespmem:s17+$0x30]  }
0x178: {  	v13 =	vld [tilespmem:s29+$0x20]  }
0x179: {  	v14 =	vld [tilespmem:s17+$0x20]  }
0x17a: {  	v19 =	vld [tilespmem:s29+$0x0]  }
0x17b: {  	v20 =	vld [tilespmem:s17+$0x0]  }
0x17c: {  	v22 =	vld [tilespmem:s29+$0x10]  }
.Ltmp4:
0x17d: {  	v24 =	vld [tilespmem:s17+$0x10];
	v12, _, _ =	vpop (xrf2);
	(pc) =	sbr.rel @p0 .LBB2_11-.Ltmp4, $4  }
0x17e: {  	v18 =	vld [tilespmem:s29+$0xFFFFFF80]  }
0x17f: {  	v21 =	vld [tilespmem:s17+$0xFFFFFF80]  }
0x180: {  	s25 =	sadd.s32 $0x1, s21;
	v23 =	vld [tilespmem:s29+$0xFFFFFF90];
	v15, _, _ =	vpop (xrf2)  }
0x181: {  	v16 =	vmov s21;
	v17 =	vmov s25;
	s21 =	smov.u32 s23;
	s23 =	sadd.s32 $0x2, s23;
	v25 =	vld [tilespmem:s17+$0xFFFFFF90];
	v15 =	vbroadcast v15, $0xF  }
0x182: {  	v26 =	vld [tilespmem:s29+$0xFFFFFFA0]  }
0x183: {  	v27 =	vld [tilespmem:s17+$0xFFFFFFA0]  }
0x184: {  	v28 =	vld [tilespmem:s29+$0xFFFFFFB0]  }
0x185: {  	v19 =	vmul.f32 v20, v19;
	v44 =	vmul.f32 v24, v22;
	v45 =	vld [tilespmem:s17+$0xFFFFFFB0]  }
0x186: {  	v47 =	vld [tilespmem:s29+$0xFFFFFFC0];
	v18 =	vmul.f32 v21, v18;
	v46 =	vmul.f32 v25, v23  }
0x187: {  	v13 =	vmul.f32 v14, v13;
	v48 =	vld [tilespmem:s17+$0xFFFFFFC0];
	v19 =	vadd.f32 v44, v19  }
0x188: {  	v50 =	vld [tilespmem:s29+$0xFFFFFFD0];
	v49 =	vmul.f32 v27, v26;
	v18 =	vadd.f32 v46, v18  }
0x189: {  	v10 =	vmul.f32 v11, v10;
	v51 =	vld [tilespmem:s17+$0xFFFFFFD0];
	v13 =	vadd.f32 v13, v19  }
0x18a: {  	v53 =	vld [tilespmem:s29+$0xFFFFFFE0];
	v52 =	vmul.f32 v45, v28;
	v18 =	vadd.f32 v49, v18  }
0x18b: {  	v8 =	vmul.f32 v9, v8;
	v54 =	vld [tilespmem:s17+$0xFFFFFFE0];
	v10 =	vadd.f32 v10, v13  }
0x18c: {  	v56 =	vld [tilespmem:s29+$0xFFFFFFF0];
	v14 =	vmul.f32 v48, v47;
	v55 =	vadd.f32 v52, v18  }
0x18d: {  	v6 =	vmul.f32 v7, v6;
	v57 =	vld [tilespmem:s17+$0xFFFFFFF0];
	v8 =	vadd.f32 v8, v10  }
0x18e: {  	v11 =	vmul.f32 v51, v50;
	v58 =	vadd.f32 v14, v55  }
0x18f: {  	v3 =	vmul.f32 v5, v3;
	v6 =	vadd.f32 v6, v8  }
0x190: {  	v60 =	vmul.f32 v54, v53;
	v59 =	vadd.f32 v11, v58  }
0x191: {  	v1 =	vmul.f32 v1, v2;
	v3 =	vadd.f32 v3, v6  }
0x192: {  	v61 =	vmul.f32 v57, v56;
	v2 =	vadd.f32 v60, v59  }
0x193: {  	v1 =	vadd.f32 v1, v3  }
0x194: {  	v2 =	vadd.f32 v61, v2  }
0x195: {  	(xrf2) =	vadd.scan.msk.f32 $0xffff, v1  }
0x196: {  	(xrf2) =	vadd.scan.msk.f32 $0xffff, v2;
	_ =	sdelay $0x8  }
0x197: {  	vm0 =	veq.s32 v16, v0;
	s26 =	sadd.s32 $0x1, s26;
	v1 =	vbroadcast v12, $0xF;
	v2, _, _ =	vpop (xrf2)  }
0x198: {  	vm1 =	veq.s32 v17, v0;
	p0 =	sne.s32 s26, $0x8;
	v3 =	vsel vm0, v15, v4;
	v62, _, _ =	vpop (xrf2)  }
.Ltmp5:
0x199: {  	s29 =	sadd.s32 $0x1, s21;
	v1 =	vsel vm1, v1, v3;
	v3 =	vmov s21;
	v4 =	vbroadcast v62, $0xF;
	(pc) =	sbr.rel @p0 .LBB2_10-.Ltmp5, $4  }
0x19a: {  	v63 =	vmov s29;
	vm14 =	veq.s32 v3, v0;
	v2 =	vbroadcast v2, $0xF  }
0x19b: {  	vm15 =	veq.s32 v63, v0;
	v1 =	vsel vm14, v4, v1  }
0x19c: {  	v1 =	vsel vm15, v2, v1  }
0x19d: {  	s22 =	sadd.s32 $0x800, s22;
	s24 =	sadd.s32 $0x800, s24;
	[tilespmem:s19+$0x10980] =	vst v1  }
0x19e: {  	_ =	swait.ge [sflag:s14], $0x4000  }
0x19f: {  	[sflag:s14] =	ssyncset.done $0x0  }
0x1a0: {  	[sflag:s14] =	ssyncadd.s32 $0xFFFFC000  }
0x1a1: {  	_ =	swait.ge [sflag:s14], $0x4000  }
0x1a2: {  	s20 =	simm.s32 $0x0;
	s22 =	simm.s32 $0xC900;
	[sflag:s14] =	ssyncset.done $0x0  }
0x1a3: {  	s24 =	simm.s32 $0x4900;
	s26 =	simm.s32 $0x0;
	[sflag:s14] =	ssyncadd.s32 $0xFFFFC000  }
.LBB2_14:
0x1a4: {  	v4 =	vld [tilespmem:s24+$0x70]  }
0x1a5: {  	v5 =	vld [tilespmem:s22+$0x70]  }
0x1a6: {  	v1 =	vld [tilespmem:s24+$0x60]  }
0x1a7: {  	v3 =	vld [tilespmem:s22+$0x60]  }
0x1a8: {  	v2 =	vld [tilespmem:s24+$0x50]  }
0x1a9: {  	v6 =	vld [tilespmem:s22+$0x50]  }
0x1aa: {  	v7 =	vld [tilespmem:s24+$0x40]  }
0x1ab: {  	v8 =	vld [tilespmem:s22+$0x40]  }
0x1ac: {  	v9 =	vld [tilespmem:s24+$0x30]  }
0x1ad: {  	v10 =	vld [tilespmem:s22+$0x30]  }
0x1ae: {  	v11 =	vld [tilespmem:s24+$0x20]  }
0x1af: {  	v12 =	vld [tilespmem:s22+$0x20]  }
0x1b0: {  	v13 =	vld [tilespmem:s24+$0x0]  }
0x1b1: {  	v14 =	vld [tilespmem:s22+$0x0]  }
0x1b2: {  	v15 =	vld [tilespmem:s24+$0x10]  }
0x1b3: {  	v16 =	vld [tilespmem:s22+$0x10]  }
0x1b4: {  	v17 =	vld [tilespmem:s24+$0xFFFFFF80]  }
0x1b5: {  	v18 =	vld [tilespmem:s22+$0xFFFFFF80]  }
0x1b6: {  	v19 =	vld [tilespmem:s24+$0xFFFFFF90]  }
0x1b7: {  	v20 =	vld [tilespmem:s22+$0xFFFFFF90]  }
0x1b8: {  	v21 =	vld [tilespmem:s24+$0xFFFFFFA0]  }
0x1b9: {  	v22 =	vld [tilespmem:s22+$0xFFFFFFA0]  }
0x1ba: {  	v23 =	vld [tilespmem:s24+$0xFFFFFFB0]  }
0x1bb: {  	v13 =	vmul.f32 v14, v13;
	v14 =	vmul.f32 v16, v15;
	v15 =	vld [tilespmem:s22+$0xFFFFFFB0]  }
0x1bc: {  	v16 =	vmul.f32 v18, v17;
	v17 =	vmul.f32 v20, v19;
	v18 =	vld [tilespmem:s24+$0xFFFFFFC0]  }
0x1bd: {  	v11 =	vmul.f32 v12, v11;
	v12 =	vld [tilespmem:s22+$0xFFFFFFC0];
	v13 =	vadd.f32 v14, v13  }
0x1be: {  	v9 =	vmul.f32 v10, v9;
	v10 =	vld [tilespmem:s22+$0xFFFFFFD0];
	v14 =	vadd.f32 v17, v16;
	v16 =	vmul.f32 v22, v21  }
0x1bf: {  	v17 =	vld [tilespmem:s24+$0xFFFFFFD0];
	v11 =	vadd.f32 v11, v13  }
0x1c0: {  	v7 =	vmul.f32 v8, v7;
	v8 =	vld [tilespmem:s22+$0xFFFFFFE0];
	v13 =	vadd.f32 v16, v14;
	v14 =	vmul.f32 v15, v23  }
0x1c1: {  	v15 =	vld [tilespmem:s24+$0xFFFFFFE0];
	v9 =	vadd.f32 v9, v11  }
0x1c2: {  	v12 =	vmul.f32 v12, v18;
	v11 =	vadd.f32 v14, v13;
	v13 =	vld [tilespmem:s24+$0xFFFFFFF0]  }
0x1c3: {  	s17 =	sadd.s32 $0x100, s22;
	v6 =	vmul.f32 v6, v2;
	v7 =	vadd.f32 v7, v9;
	v9 =	vld [tilespmem:s22+$0xFFFFFFF0]  }
0x1c4: {  	v24 =	vld [tilespmem:s17+$0x10];
	v10 =	vmul.f32 v10, v17;
	v11 =	vadd.f32 v12, v11  }
0x1c5: {  	s29 =	sadd.s32 $0x100, s24;
	v25 =	vld [tilespmem:s17+$0xFFFFFF90];
	v6 =	vadd.f32 v6, v7;
	v7 =	vmul.f32 v3, v1  }
0x1c6: {  	v2 =	vld [tilespmem:s29+$0x70];
	v8 =	vmul.f32 v8, v15;
	v10 =	vadd.f32 v10, v11  }
0x1c7: {  	v4 =	vmul.f32 v5, v4;
	v5 =	vld [tilespmem:s17+$0x60];
	v7 =	vadd.f32 v7, v6  }
0x1c8: {  	v19 =	vld [tilespmem:s29+$0x0];
	v10 =	vadd.f32 v8, v10;
	v9 =	vmul.f32 v9, v13  }
0x1c9: {  	v20 =	vld [tilespmem:s17+$0x0];
	v4 =	vadd.f32 v4, v7  }
0x1ca: {  	v22 =	vld [tilespmem:s29+$0x10];
	v11 =	vadd.f32 v9, v10  }
0x1cb: {  	v21 =	vld [tilespmem:s17+$0xFFFFFF80];
	(xrf2) =	vadd.scan.msk.f32 $0xffff, v4  }
0x1cc: {  	v18 =	vld [tilespmem:s29+$0xFFFFFF80];
	(xrf2) =	vadd.scan.msk.f32 $0xffff, v11  }
0x1cd: {  	v23 =	vld [tilespmem:s29+$0xFFFFFF90]  }
0x1ce: {  	v14 =	vld [tilespmem:s17+$0x20]  }
0x1cf: {  	v1 =	vld [tilespmem:s17+$0x70]  }
0x1d0: {  	v3 =	vld [tilespmem:s29+$0x60]  }
0x1d1: {  	v6 =	vld [tilespmem:s29+$0x50]  }
0x1d2: {  	v8 =	vld [tilespmem:s29+$0x40]  }
0x1d3: {  	v13 =	vld [tilespmem:s29+$0x20]  }
0x1d4: {  	v7 =	vld [tilespmem:s17+$0x50]  }
0x1d5: {  	v9 =	vld [tilespmem:s17+$0x40];
	v12, _, _ =	vpop (xrf2)  }
0x1d6: {  	s25 =	simm.s32 $0x1;
	v16 =	vmov s20;
	v10 =	vld [tilespmem:s29+$0x30];
	v15, _, _ =	vpop (xrf2)  }
0x1d7: {  	s19 =	sshll.u32 s26, $0x4;
	s21 =	simm.s32 $0x2;
	s23 =	simm.s32 $0x4;
	v17 =	vmov s25;
	v4 =	vimm.f32 $0.0e+00;
	v11 =	vld [tilespmem:s17+$0x30];
	v15 =	vbroadcast v15, $0xF  }
.LBB2_15:
0x1d8: {  	p0 =	slt.u32 s23, $0xE;
	v26 =	vld [tilespmem:s29+$0xFFFFFFA0];
	vm0 =	veq.s32 v16, v0;
	vm1 =	veq.s32 v17, v0;
	v12 =	vbroadcast v12, $0xF  }
0x1d9: {  	v17 =	vmul.f32 v20, v19;
	v19 =	vmul.f32 v24, v22;
	v16 =	vld [tilespmem:s17+$0xFFFFFFA0];
	v4 =	vsel vm0, v15, v4  }
0x1da: {  	v15 =	vld [tilespmem:s29+$0xFFFFFFB0];
	v4 =	vsel vm1, v12, v4  }
0x1db: {  	v13 =	vmul.f32 v14, v13;
	v17 =	vadd.f32 v19, v17;
	v12 =	vld [tilespmem:s17+$0xFFFFFFB0]  }
0x1dc: {  	v14 =	vmul.f32 v21, v18;
	v18 =	vmul.f32 v25, v23;
	v19 =	vld [tilespmem:s29+$0xFFFFFFC0]  }
0x1dd: {  	v10 =	vmul.f32 v11, v10;
	v13 =	vadd.f32 v13, v17;
	v20 =	vld [tilespmem:s17+$0xFFFFFFC0]  }
0x1de: {  	v11 =	vadd.f32 v18, v14;
	v14 =	vmul.f32 v16, v26;
	v16 =	vld [tilespmem:s29+$0xFFFFFFD0]  }
0x1df: {  	v8 =	vmul.f32 v9, v8;
	v10 =	vadd.f32 v10, v13;
	v17 =	vld [tilespmem:s17+$0xFFFFFFD0]  }
0x1e0: {  	v9 =	vadd.f32 v14, v11;
	v11 =	vmul.f32 v12, v15;
	v12 =	vld [tilespmem:s29+$0xFFFFFFE0]  }
0x1e1: {  	v6 =	vmul.f32 v7, v6;
	v8 =	vadd.f32 v8, v10;
	v13 =	vld [tilespmem:s17+$0xFFFFFFE0]  }
0x1e2: {  	v7 =	vadd.f32 v11, v9;
	v9 =	vmul.f32 v20, v19;
	v10 =	vld [tilespmem:s29+$0xFFFFFFF0]  }
0x1e3: {  	v3 =	vmul.f32 v5, v3;
	v6 =	vadd.f32 v6, v8;
	s29 =	sadd.s32 $0x100, s29;
	v11 =	vld [tilespmem:s17+$0xFFFFFFF0]  }
0x1e4: {  	s17 =	sadd.s32 $0x100, s17;
	v8 =	vld [tilespmem:s29+$0x70];
	v5 =	vadd.f32 v9, v7;
	v7 =	vmul.f32 v17, v16  }
0x1e5: {  	v2 =	vmul.f32 v1, v2;
	v6 =	vadd.f32 v3, v6;
	v1 =	vld [tilespmem:s17+$0x70]  }
0x1e6: {  	v3 =	vld [tilespmem:s29+$0x60];
	v7 =	vadd.f32 v7, v5;
	v9 =	vmul.f32 v13, v12  }
0x1e7: {  	v12 =	vadd.f32 v2, v6;
	v5 =	vld [tilespmem:s17+$0x60]  }
0x1e8: {  	v6 =	vld [tilespmem:s29+$0x50];
	v9 =	vadd.f32 v9, v7;
	v10 =	vmul.f32 v11, v10  }
0x1e9: {  	v7 =	vld [tilespmem:s17+$0x50];
	(xrf2) =	vadd.scan.msk.f32 $0xffff, v12;
	v2 =	vmov v8  }
0x1ea: {  	v8 =	vld [tilespmem:s29+$0x40];
	v11 =	vadd.f32 v10, v9  }
0x1eb: {  	v9 =	vld [tilespmem:s17+$0x40]  }
0x1ec: {  	v10 =	vld [tilespmem:s29+$0x30];
	(xrf2) =	vadd.scan.msk.f32 $0xffff, v11  }
0x1ed: {  	v11 =	vld [tilespmem:s17+$0x30]  }
0x1ee: {  	v13 =	vld [tilespmem:s29+$0x20]  }
0x1ef: {  	v14 =	vld [tilespmem:s17+$0x20]  }
0x1f0: {  	v19 =	vld [tilespmem:s29+$0x0]  }
0x1f1: {  	v20 =	vld [tilespmem:s17+$0x0]  }
0x1f2: {  	v22 =	vld [tilespmem:s29+$0x10]  }
.Ltmp6:
0x1f3: {  	v24 =	vld [tilespmem:s17+$0x10];
	v12, _, _ =	vpop (xrf2);
	(pc) =	sbr.rel @p0 .LBB2_15-.Ltmp6, $4  }
0x1f4: {  	v18 =	vld [tilespmem:s29+$0xFFFFFF80]  }
0x1f5: {  	v21 =	vld [tilespmem:s17+$0xFFFFFF80]  }
0x1f6: {  	s25 =	sadd.s32 $0x1, s21;
	v23 =	vld [tilespmem:s29+$0xFFFFFF90];
	v15, _, _ =	vpop (xrf2)  }
0x1f7: {  	v16 =	vmov s21;
	v17 =	vmov s25;
	s21 =	smov.u32 s23;
	s23 =	sadd.s32 $0x2, s23;
	v25 =	vld [tilespmem:s17+$0xFFFFFF90];
	v15 =	vbroadcast v15, $0xF  }
0x1f8: {  	v26 =	vld [tilespmem:s29+$0xFFFFFFA0]  }
0x1f9: {  	v27 =	vld [tilespmem:s17+$0xFFFFFFA0]  }
0x1fa: {  	v28 =	vld [tilespmem:s29+$0xFFFFFFB0]  }
0x1fb: {  	v19 =	vmul.f32 v20, v19;
	v44 =	vmul.f32 v24, v22;
	v45 =	vld [tilespmem:s17+$0xFFFFFFB0]  }
0x1fc: {  	v47 =	vld [tilespmem:s29+$0xFFFFFFC0];
	v18 =	vmul.f32 v21, v18;
	v46 =	vmul.f32 v25, v23  }
0x1fd: {  	v13 =	vmul.f32 v14, v13;
	v48 =	vld [tilespmem:s17+$0xFFFFFFC0];
	v19 =	vadd.f32 v44, v19  }
0x1fe: {  	v50 =	vld [tilespmem:s29+$0xFFFFFFD0];
	v49 =	vmul.f32 v27, v26;
	v18 =	vadd.f32 v46, v18  }
0x1ff: {  	v10 =	vmul.f32 v11, v10;
	v51 =	vld [tilespmem:s17+$0xFFFFFFD0];
	v13 =	vadd.f32 v13, v19  }
0x200: {  	v53 =	vld [tilespmem:s29+$0xFFFFFFE0];
	v52 =	vmul.f32 v45, v28;
	v18 =	vadd.f32 v49, v18  }
0x201: {  	v8 =	vmul.f32 v9, v8;
	v54 =	vld [tilespmem:s17+$0xFFFFFFE0];
	v10 =	vadd.f32 v10, v13  }
0x202: {  	v56 =	vld [tilespmem:s29+$0xFFFFFFF0];
	v14 =	vmul.f32 v48, v47;
	v55 =	vadd.f32 v52, v18  }
0x203: {  	v6 =	vmul.f32 v7, v6;
	v57 =	vld [tilespmem:s17+$0xFFFFFFF0];
	v8 =	vadd.f32 v8, v10  }
0x204: {  	v11 =	vmul.f32 v51, v50;
	v58 =	vadd.f32 v14, v55  }
0x205: {  	v3 =	vmul.f32 v5, v3;
	v6 =	vadd.f32 v6, v8  }
0x206: {  	v60 =	vmul.f32 v54, v53;
	v59 =	vadd.f32 v11, v58  }
0x207: {  	v1 =	vmul.f32 v1, v2;
	v3 =	vadd.f32 v3, v6  }
0x208: {  	v61 =	vmul.f32 v57, v56;
	v2 =	vadd.f32 v60, v59  }
0x209: {  	v1 =	vadd.f32 v1, v3  }
0x20a: {  	v2 =	vadd.f32 v61, v2  }
0x20b: {  	(xrf2) =	vadd.scan.msk.f32 $0xffff, v1  }
0x20c: {  	(xrf2) =	vadd.scan.msk.f32 $0xffff, v2;
	_ =	sdelay $0x8  }
0x20d: {  	vm0 =	veq.s32 v16, v0;
	s26 =	sadd.s32 $0x1, s26;
	v1 =	vbroadcast v12, $0xF;
	v2, _, _ =	vpop (xrf2)  }
0x20e: {  	vm1 =	veq.s32 v17, v0;
	p0 =	sne.s32 s26, $0x8;
	v3 =	vsel vm0, v15, v4;
	v62, _, _ =	vpop (xrf2)  }
.Ltmp7:
0x20f: {  	s29 =	sadd.s32 $0x1, s21;
	v1 =	vsel vm1, v1, v3;
	v3 =	vmov s21;
	v4 =	vbroadcast v62, $0xF;
	(pc) =	sbr.rel @p0 .LBB2_14-.Ltmp7, $4  }
0x210: {  	v63 =	vmov s29;
	vm14 =	veq.s32 v3, v0;
	v2 =	vbroadcast v2, $0xF  }
0x211: {  	vm15 =	veq.s32 v63, v0;
	v1 =	vsel vm14, v4, v1  }
0x212: {  	v1 =	vsel vm15, v2, v1  }
0x213: {  	s22 =	sadd.s32 $0x800, s22;
	s24 =	sadd.s32 $0x800, s24;
	[tilespmem:s19+$0x10A00] =	vst v1  }
0x214: {  	_ =	swait.ge [sflag:s16], $0x80  }
0x215: {  	[sflag:s16] =	ssyncset.done $0x0  }
0x216: {  	[sflag:s16] =	ssyncadd.s32 $0xFFFFFF80  }
0x217: {  	_ =	swait.ge [sflag:s16], $0x80  }
0x218: {  	[sflag:s16] =	ssyncset.done $0x0  }
0x219: {  	[sflag:s16] =	ssyncadd.s32 $0xFFFFFF80  }
0x21a: {  	_ =	swait.ge [sflag:s16], $0x80  }
0x21b: {  	[sflag:s16] =	ssyncset.done $0x0  }
0x21c: {  	[sflag:s16] =	ssyncadd.s32 $0xFFFFFF80  }
0x21d: {  	_ =	swait.ge [sflag:s16], $0x80  }
0x21e: {  	[sflag:s16] =	ssyncset.done $0x0  }
0x21f: {  	[sflag:s16] =	ssyncadd.s32 $0xFFFFFF80  }
0x220: {  	_ =	swait.ge [sflag:s16], $0x80  }
0x221: {  	[sflag:s16] =	ssyncset.done $0x0  }
0x222: {  	[sflag:s16] =	ssyncadd.s32 $0xFFFFFF80  }
0x223: {  	_ =	swait.ge [sflag:s16], $0x80  }
0x224: {  	[sflag:s16] =	ssyncset.done $0x0  }
0x225: {  	[sflag:s16] =	ssyncadd.s32 $0xFFFFFF80  }
0x226: {  	_ =	swait.ge [sflag:s16], $0x80  }
0x227: {  	[sflag:s16] =	ssyncset.done $0x0  }
0x228: {  	[sflag:s16] =	ssyncadd.s32 $0xFFFFFF80  }
0x229: {  	_ =	swait.ge [sflag:s16], $0x80  }
0x22a: {  	[sflag:s16] =	ssyncset.done $0x0  }
0x22b: {  	[sflag:s16] =	ssyncadd.s32 $0xFFFFFF80  }
0x22c: {  	v2 =	vld [tilespmem:$0x10880]  }
0x22d: {  	v3 =	vld [tilespmem:$0x400]  }
0x22e: {  	v4 =	vld [tilespmem:$0x600]  }
0x22f: {  	v1 =	vld.msk [tilespmem:$0x800 ss:$0x0], $0xffff  }
0x230: {  	v5 =	vld [tilespmem:$0x10890]  }
0x231: {  	v6 =	vld [tilespmem:$0x410]  }
0x232: {  	v7 =	vld [tilespmem:$0x610]  }
0x233: {  	v8 =	vld [tilespmem:$0x108A0]  }
0x234: {  	v9 =	vld [tilespmem:$0x420]  }
0x235: {  	v10 =	vld [tilespmem:$0x620]  }
0x236: {  	v11 =	vld [tilespmem:$0x108B0]  }
0x237: {  	v12 =	vld [tilespmem:$0x430]  }
0x238: {  	v13 =	vld [tilespmem:$0x630]  }
0x239: {  	v14 =	vld [tilespmem:$0x108C0]  }
0x23a: {  	v15 =	vld [tilespmem:$0x440]  }
0x23b: {  	v16 =	vld [tilespmem:$0x640]  }
0x23c: {  	v17 =	vld [tilespmem:$0x108D0]  }
0x23d: {  	v18 =	vld [tilespmem:$0x450]  }
0x23e: {  	v19 =	vld [tilespmem:$0x650]  }
0x23f: {  	v20 =	vld [tilespmem:$0x108E0]  }
0x240: {  	v21 =	vld [tilespmem:$0x460]  }
0x241: {  	v22 =	vld [tilespmem:$0x660]  }
0x242: {  	v23 =	vld [tilespmem:$0x108F0]  }
0x243: {  	v24 =	vld [tilespmem:$0x470]  }
0x244: {  	v25 =	vld [tilespmem:$0x670]  }
0x245: {  	v26 =	vld [tilespmem:$0x10900]  }
0x246: {  	v27 =	vld [tilespmem:$0x480]  }
0x247: {  	v28 =	vld [tilespmem:$0x680]  }
0x248: {  	v29 =	vld [tilespmem:$0x10910]  }
0x249: {  	v30 =	vld [tilespmem:$0x490]  }
0x24a: {  	v31 =	vld [tilespmem:$0x690]  }
0x24b: {  	v32 =	vld [tilespmem:$0x10920]  }
0x24c: {  	v33 =	vld [tilespmem:$0x4A0]  }
0x24d: {  	v34 =	vld [tilespmem:$0x6A0]  }
0x24e: {  	v35 =	vld [tilespmem:$0x10930]  }
0x24f: {  	v36 =	vld [tilespmem:$0x4B0]  }
0x250: {  	v37 =	vld [tilespmem:$0x6B0]  }
0x251: {  	v38 =	vld [tilespmem:$0x10940]  }
0x252: {  	v39 =	vld [tilespmem:$0x4C0]  }
0x253: {  	v40 =	vld [tilespmem:$0x6C0]  }
0x254: {  	v41 =	vld [tilespmem:$0x10950]  }
0x255: {  	v42 =	vld [tilespmem:$0x4D0]  }
0x256: {  	v43 =	vld [tilespmem:$0x6D0]  }
0x257: {  	v44 =	vld [tilespmem:$0x10960]  }
0x258: {  	v45 =	vld [tilespmem:$0x4E0]  }
0x259: {  	v46 =	vld [tilespmem:$0x6E0]  }
0x25a: {  	v47 =	vld [tilespmem:$0x10970]  }
0x25b: {  	v48 =	vld [tilespmem:$0x4F0]  }
0x25c: {  	v49 =	vld [tilespmem:$0x6F0]  }
0x25d: {  	v50 =	vld [tilespmem:$0x10980]  }
0x25e: {  	v51 =	vld [tilespmem:$0x500]  }
0x25f: {  	v52 =	vld [tilespmem:$0x700]  }
0x260: {  	v53 =	vld [tilespmem:$0x10990]  }
0x261: {  	v54 =	vld [tilespmem:$0x510]  }
0x262: {  	v58 =	vld [tilespmem:$0x540]  }
0x263: {  	v2 =	vadd.f32 v3, v2;
	v3 =	vld [tilespmem:$0x710];
	v5 =	vadd.f32 v6, v5  }
0x264: {  	v6 =	vld [tilespmem:$0x109A0];
	v61 =	vadd.f32 v9, v8;
	v62 =	vadd.f32 v12, v11  }
0x265: {  	v8 =	vld [tilespmem:$0x520];
	v63 =	vadd.f32 v15, v14;
	v18 =	vadd.f32 v18, v17  }
0x266: {  	v9 =	vld [tilespmem:$0x720];
	v55 =	vadd.f32 v21, v20;
	v56 =	vadd.f32 v24, v23  }
0x267: {  	v11 =	vld [tilespmem:$0x109B0];
	v57 =	vadd.f32 v27, v26;
	v59 =	vadd.f32 v30, v29  }
0x268: {  	v15 =	vld [tilespmem:$0x730];
	v60 =	vadd.f32 v33, v32;
	v38 =	vadd.f32 v39, v38  }
0x269: {  	v17 =	vld [tilespmem:$0x109C0];
	v39 =	vadd.f32 v42, v41;
	v42 =	vadd.f32 v48, v47  }
0x26a: {  	v21 =	vld [tilespmem:$0x740];
	v2 =	vadd.f32 v4, v2;
	v5 =	vadd.f32 v7, v5  }
0x26b: {  	v27 =	vld [tilespmem:$0x750];
	v4 =	vadd.f32 v10, v61;
	v7 =	vadd.f32 v13, v62  }
0x26c: {  	v29 =	vld [tilespmem:$0x109E0];
	v10 =	vadd.f32 v16, v63;
	v12 =	vadd.f32 v19, v18  }
0x26d: {  	v41 =	vld [tilespmem:$0x560];
	v14 =	vadd.f32 v22, v55;
	v16 =	vadd.f32 v25, v56  }
0x26e: {  	v47 =	vld [tilespmem:$0x570];
	v18 =	vadd.f32 v28, v57;
	v20 =	vadd.f32 v31, v59  }
0x26f: {  	v48 =	vld [tilespmem:$0x770];
	v62 =	vadd.f32 v36, v35;
	v22 =	vadd.f32 v34, v60  }
0x270: {  	v13 =	vld [tilespmem:$0x530];
	v26 =	vadd.f32 v40, v38;
	v40 =	vadd.f32 v45, v44  }
0x271: {  	v61 =	vld [tilespmem:$0x109D0];
	v28 =	vadd.f32 v43, v39;
	v44 =	vadd.f32 v51, v50  }
0x272: {  	v63 =	vld [tilespmem:$0x550];
	v32 =	vadd.f32 v49, v42;
	v24 =	vadd.f32 v37, v62  }
0x273: {  	v43 =	vld [tilespmem:$0x760];
	v30 =	vadd.f32 v46, v40;
	v46 =	vadd.f32 v54, v53  }
0x274: {  	v45 =	vld [tilespmem:$0x109F0];
	v2 =	vadd.f32 v2, v1;
	v34 =	vadd.f32 v52, v44  }
0x275: {  	v49 =	vld [tilespmem:$0x10A00];
	v5 =	vadd.f32 v5, v1;
	v52 =	vadd.f32 v7, v1  }
0x276: {  	v51 =	vld [tilespmem:$0x580];
	v56 =	vadd.f32 v12, v1;
	[tilespmem:$0x10880] =	vst v2;
	v2 =	vadd.f32 v4, v1  }
0x277: {  	v55 =	vld [tilespmem:$0x10A10];
	v60 =	vadd.f32 v16, v1;
	v25 =	vadd.f32 v20, v1;
	[tilespmem:$0x10890] =	vst v5  }
0x278: {  	v57 =	vld [tilespmem:$0x590];
	v50 =	vadd.f32 v8, v6;
	[tilespmem:$0x108A0] =	vst v2;
	v2 =	vadd.f32 v10, v1  }
0x279: {  	v59 =	vld [tilespmem:$0x790];
	v58 =	vadd.f32 v58, v17;
	v29 =	vadd.f32 v41, v29;
	[tilespmem:$0x108B0] =	vst v52  }
0x27a: {  	v31 =	vld [tilespmem:$0x10A30];
	v3 =	vadd.f32 v3, v46;
	[tilespmem:$0x108C0] =	vst v2;
	v2 =	vadd.f32 v14, v1  }
0x27b: {  	v42 =	vld [tilespmem:$0x7B0];
	[tilespmem:$0x108D0] =	vst v56;
	v39 =	vadd.f32 v24, v1;
	v46 =	vadd.f32 v32, v1  }
0x27c: {  	v54 =	vld [tilespmem:$0x780];
	v53 =	vadd.f32 v13, v11;
	[tilespmem:$0x108E0] =	vst v2;
	v2 =	vadd.f32 v18, v1  }
0x27d: {  	v62 =	vld [tilespmem:$0x10A20];
	[tilespmem:$0x108F0] =	vst v60;
	v4 =	vadd.f32 v9, v50;
	v61 =	vadd.f32 v63, v61  }
0x27e: {  	v44 =	vld [tilespmem:$0x10A40];
	v11 =	vadd.f32 v21, v58;
	[tilespmem:$0x10900] =	vst v2;
	v2 =	vadd.f32 v22, v1  }
0x27f: {  	v41 =	vld [tilespmem:$0x5B0];
	[tilespmem:$0x10910] =	vst v25;
	v40 =	vadd.f32 v47, v45;
	v17 =	vadd.f32 v43, v29  }
0x280: {  	v52 =	vld [tilespmem:$0x7D0];
	v43 =	vadd.f32 v28, v1;
	[tilespmem:$0x10920] =	vst v2;
	v2 =	vadd.f32 v26, v1  }
0x281: {  	v56 =	vld [tilespmem:$0x10A70];
	v6 =	vadd.f32 v51, v49;
	v9 =	vadd.f32 v57, v55;
	[tilespmem:$0x10930] =	vst v39  }
0x282: {  	v63 =	vld [tilespmem:$0x5A0];
	v3 =	vadd.f32 v3, v1;
	[tilespmem:$0x10940] =	vst v2;
	v2 =	vadd.f32 v30, v1  }
0x283: {  	v45 =	vld [tilespmem:$0x5C0];
	[tilespmem:$0x10970] =	vst v46;
	v7 =	vadd.f32 v15, v53;
	v13 =	vadd.f32 v27, v61  }
0x284: {  	v47 =	vld [tilespmem:$0x7C0];
	v19 =	vadd.f32 v48, v40;
	[tilespmem:$0x10960] =	vst v2;
	v2 =	vadd.f32 v34, v1  }
0x285: {  	v50 =	vld [tilespmem:$0x5D0];
	[tilespmem:$0x10950] =	vst v43;
	v6 =	vadd.f32 v54, v6;
	v49 =	vadd.f32 v59, v9  }
0x286: {  	v58 =	vld [tilespmem:$0x5F0];
	v53 =	vadd.f32 v41, v31;
	[tilespmem:$0x10980] =	vst v2;
	v2 =	vadd.f32 v4, v1  }
0x287: {  	v48 =	vld [tilespmem:$0x10A50];
	[tilespmem:$0x10990] =	vst v3;
	v3 =	vadd.f32 v7, v1;
	v5 =	vadd.f32 v49, v1  }
0x288: {  	v55 =	vld [tilespmem:$0x5E0];
	v51 =	vadd.f32 v63, v62;
	[tilespmem:$0x109A0] =	vst v2;
	v2 =	vadd.f32 v11, v1  }
0x289: {  	v54 =	vld [tilespmem:$0x10A60];
	v7 =	vadd.f32 v42, v53;
	[tilespmem:$0x109B0] =	vst v3;
	v3 =	vadd.f32 v13, v1  }
0x28a: {  	v27 =	vld [tilespmem:$0x7A0];
	v57 =	vadd.f32 v45, v44;
	[tilespmem:$0x109C0] =	vst v2;
	v2 =	vadd.f32 v17, v1  }
0x28b: {  	v59 =	vld [tilespmem:$0x7E0];
	v62 =	vadd.f32 v58, v56;
	[tilespmem:$0x109D0] =	vst v3;
	v3 =	vadd.f32 v19, v1  }
0x28c: {  	v61 =	vld [tilespmem:$0x7F0];
	v8 =	vadd.f32 v50, v48;
	[tilespmem:$0x109E0] =	vst v2;
	v2 =	vadd.f32 v6, v1  }
0x28d: {  	v60 =	vadd.f32 v47, v57;
	v7 =	vadd.f32 v7, v1;
	[tilespmem:$0x109F0] =	vst v3  }
0x28e: {  	v3 =	vadd.f32 v52, v8;
	[tilespmem:$0x10A00] =	vst v2;
	v2 =	vadd.f32 v55, v54  }
0x28f: {  	[tilespmem:$0x10A10] =	vst v5;
	v63 =	vadd.f32 v60, v1;
	v4 =	vadd.f32 v27, v51  }
0x290: {  	[tilespmem:$0x10A30] =	vst v7;
	v3 =	vadd.f32 v3, v1;
	v2 =	vadd.f32 v59, v2  }
0x291: {  	v5 =	vadd.f32 v61, v62;
	[tilespmem:$0x10A40] =	vst v63;
	v4 =	vadd.f32 v4, v1  }
0x292: {  	[tilespmem:$0x10A50] =	vst v3;
	v2 =	vadd.f32 v2, v1  }
0x293: {  	s18 =	sadd.s32 $0x1, s18;
	[tilespmem:$0x10A20] =	vst v4;
	v1 =	vadd.f32 v5, v1  }
0x294: {  	p0 =	sne.s32 s18, s11;
	[tilespmem:$0x10A60] =	vst v2  }
.Ltmp8:
0x295: {  	s17 =	simm.s32 $0x10880;
	[tilespmem:$0x10A70] =	vst v1;
	(pc) =	sbr.rel @p0 .LBB2_1-.Ltmp8, $4  }
0x296: {  	[hbm4b:s10+s5] =	stream.linear.scatter [tilespmem:s17], [sflag:$0x4], $0x200, $0x38;
	[tilespmem:$0x10A80] =	vst v63  }
0x297: {  	_ =	swait.ge [sflag:s12], $0x200  }
0x298: {  	[sflag:s12] =	ssyncset.done $0x0  }
0x299: {  	[sflag:s12] =	ssyncadd.s32 $0xFFFFFE00  }
0x29a: {  	_ =	sfence.sel $0x180000  }
0x29b: {  	[bflag:$0x0] =	sbarrier.arrive $0xFFFF  }
0x29c: {  	_ =	strace $0x90000047  }
0x29d: {  	s0 =	stileid.u32;
	[bflag:$0x2] =	sbarrier.arrive $0xFFFF  }
0x29e: {  	p0 =	sne.s32 s0, $0x0;
	s0 =	rddreg [dreg:$0x7]  }
0x29f: {  	s0 =	sadd.s32 @!p0 $0x100000, s0  }
0x2a0: {  	[sflag:s0] =	ssyncadd.tile.s32 @!p0 $0x1;
	_ =	shalt  }
.Lfunc_end2:
_tile_overlayer_lowered:
.L_overlay_start_2:
0x2a1: {  	(tag) =	ssettag $0x2  }
0x2a2: {  	s0 =	rddreg [dreg:$0x0];
	s2 =	stileid.u32  }
0x2a3: {  	s1 =	rddreg [dreg:$0x1];
	p0 =	sne.s32 s2, $0x0  }
0x2a4: {  	s3 =	rddreg [dreg:$0x2];
	[bflag:$0x3] =	sbarrier.arrive $0xFFFF;
	s2 =	simm.s32 @!p0 $0x1C04  }
0x2a5: {  	[timem:s3], [sflag:s2] =	dma.local @!p0 [hbm:s0], s1  }
0x2a6: {  	s0 =	simm.s32 @!p0 $0x4  }
0x2a7: {  	_ =	swait.ge @!p0 [sflag:s0], s1  }
0x2a8: {  	s1 =	ssub.s32 @!p0 $0x0, s1;
	[sflag:s0] =	ssyncset.done @!p0 $0x0  }
0x2a9: {  	[sflag:s0] =	ssyncadd.s32 @!p0 s1  }
0x2aa: {  	[bflag:$0x3] =	sbarrier.arrive $0xFFFF  }
0x2ab: {  	_ =	shalt  }

</sc_bundles>
